<compile_context>
chip_gen: v7x
topology: tpu7x:2x2x1
jax: 0.10.2.dev20260603
libtpu: 0.0.44.dev20260713+nightly
codegen_flags: <defaults>
</compile_context>

<pallas_src>
import functools

import jax
import jax.numpy as jnp
from jax import lax
from jax.experimental import pallas as pl
from jax.experimental.pallas import tpu as pltpu
from jax.experimental.pallas import tpu_sc as plsc

N = 10000
NP = 10240
E = 320000
IN_DIM = 128
HID = 64
OUT_DIM = 32

NC = 2
NS = 16
NW = NC * NS
EPW = E // NW
K = 80
CH = EPW // K
RPT = NP // NS

_f32 = jnp.float32


@functools.cache
def _make_prop(d):
    mesh = plsc.VectorSubcoreMesh(core_axis_name="c", subcore_axis_name="s")

    @functools.partial(
        pl.kernel,
        out_type=jax.ShapeDtypeStruct((NC, NP, d), _f32),
        mesh=mesh,
        compiler_params=pltpu.CompilerParams(use_tc_tiling_on_sc=False),
        scratch_types=[
            pltpu.VMEM((CH, K), jnp.int32),
            pltpu.VMEM((CH, K), jnp.int32),
            pltpu.VMEM((K, d), _f32),
            pltpu.VMEM_SHARED((NP, d), _f32),
            pltpu.SemaphoreType.DMA,
        ],
    )
    def prop(hs_hbm, src_hbm, dst_hbm, out_hbm, src_v, dst_v, msg_v, acc_sh, sem):
        cid = lax.axis_index("c")
        sid = lax.axis_index("s")
        wid = sid * NC + cid
        base = sid * RPT

        pltpu.sync_copy(hs_hbm.at[pl.ds(base, RPT)], acc_sh.at[pl.ds(base, RPT)])
        pltpu.sync_copy(src_hbm.at[wid], src_v)
        pltpu.sync_copy(dst_hbm.at[wid], dst_v)
        plsc.subcore_barrier()

        def chunk(j, carry):
            pltpu.async_copy(hs_hbm.at[src_v.at[j]], msg_v, sem).wait()
            pltpu.sync_copy(msg_v, acc_sh.at[dst_v.at[j]], add=True)
            return carry

        lax.fori_loop(0, CH, chunk, 0)

        plsc.subcore_barrier()
        pltpu.sync_copy(
            acc_sh.at[pl.ds(base, RPT)], out_hbm.at[cid].at[pl.ds(base, RPT)]
        )

    return prop


RB = 1024
GRID = NP // RB


def _dinv(degp):
    deg = degp[0, :, 0:1] + degp[1, :, 0:1] - 1.0
    return lax.rsqrt(deg)


def _tc1_body(x_ref, w1_ref, degp_ref, hs1_ref):
    dinv = _dinv(degp_ref[...])
    h = jnp.dot(x_ref[...], w1_ref[...], preferred_element_type=_f32)
    hs1_ref[...] = h * dinv


def _tc2_body(acc_ref, hs1_ref, degp_ref, w2_ref, b1_ref, hs2_ref):
    dinv = _dinv(degp_ref[...])
    acc = acc_ref[0] + acc_ref[1] - hs1_ref[...]
    h1 = jnp.maximum(acc * dinv + b1_ref[...], 0.0)
    h2 = jnp.dot(h1, w2_ref[...], preferred_element_type=_f32)
    hs2_ref[...] = h2 * dinv


def _tc3_body(acc_ref, hs2_ref, degp_ref, b2_ref, wp1_ref, bp1_ref,
              wp2_ref, bp2_ref, h2_ref, nw_ref):
    dinv = _dinv(degp_ref[...])
    acc = acc_ref[0] + acc_ref[1] - hs2_ref[...]
    h2 = acc * dinv + b2_ref[...]
    h2_ref[...] = h2
    p = jnp.maximum(
        jnp.dot(h2, wp1_ref[...], preferred_element_type=_f32) + bp1_ref[...], 0.0
    )
    z = jnp.dot(p, wp2_ref[...], preferred_element_type=_f32) + bp2_ref[...]
    nw_ref[...] = jax.nn.sigmoid(z)


def _row_spec(d):
    return pl.BlockSpec((RB, d), lambda i: (i, 0))


def _full_spec(shape):
    return pl.BlockSpec(shape, lambda i: tuple(0 for _ in shape))


_degp_spec = pl.BlockSpec((2, RB, 16), lambda i: (0, i, 0))
_acc_spec = lambda d: pl.BlockSpec((2, RB, d), lambda i: (0, i, 0))


def _tc1(x, w1, degp):
    return pl.pallas_call(
        _tc1_body,
        grid=(GRID,),
        in_specs=[_row_spec(IN_DIM), _full_spec((IN_DIM, HID)), _degp_spec],
        out_specs=_row_spec(HID),
        out_shape=jax.ShapeDtypeStruct((NP, HID), _f32),
    )(x, w1, degp)


def _tc2(acc1, hs1, degp, w2, b1):
    return pl.pallas_call(
        _tc2_body,
        grid=(GRID,),
        in_specs=[
            _acc_spec(HID), _row_spec(HID), _degp_spec,
            _full_spec((HID, OUT_DIM)), _full_spec((1, HID)),
        ],
        out_specs=_row_spec(OUT_DIM),
        out_shape=jax.ShapeDtypeStruct((NP, OUT_DIM), _f32),
    )(acc1, hs1, degp, w2, b1)


def _tc3(acc2, hs2, degp, b2, wp1, bp1, wp2p, bp2):
    return pl.pallas_call(
        _tc3_body,
        grid=(GRID,),
        in_specs=[
            _acc_spec(OUT_DIM), _row_spec(OUT_DIM), _degp_spec,
            _full_spec((1, OUT_DIM)), _full_spec((OUT_DIM, HID)),
            _full_spec((1, HID)), _full_spec((HID, 8)), _full_spec((1, 1)),
        ],
        out_specs=[_row_spec(OUT_DIM), _row_spec(8)],
        out_shape=[
            jax.ShapeDtypeStruct((NP, OUT_DIM), _f32),
            jax.ShapeDtypeStruct((NP, 8), _f32),
        ],
    )(acc2, hs2, degp, b2, wp1, bp1, wp2p, bp2)


def kernel(x, edge_index, W1, b1, W2, b2, Wp1, bp1, Wp2, bp2):
    ei = edge_index.astype(jnp.int32)
    src3 = ei[0].reshape(NW, CH, K)
    dst3 = ei[1].reshape(NW, CH, K)
    xp = jnp.pad(x, ((0, NP - N), (0, 0)))

    ones16 = jnp.ones((NP, 16), _f32)
    degp = _make_prop(16)(ones16, src3, dst3)

    hs1 = _tc1(xp, W1, degp)
    acc1 = _make_prop(HID)(hs1, src3, dst3)
    hs2 = _tc2(acc1, hs1, degp, W2, b1.reshape(1, HID))
    acc2 = _make_prop(OUT_DIM)(hs2, src3, dst3)

    wp2p = jnp.pad(Wp2, ((0, 0), (0, 7)))
    h2, nw8 = _tc3(acc2, hs2, degp, b2.reshape(1, OUT_DIM),
                   Wp1, bp1.reshape(1, HID), wp2p, bp2.reshape(1, 1))
    return (h2[:N], nw8[:N, :1])

# --- scband reference (transcript-rebuilt; emitter-appended) ---
"""Pipeline reference for scband-graph-convolutional-network-55740085567810 (READ-ONLY COPY).

The authoritative reference and input builder live on the scoring server;
editing this copy changes nothing except your own understanding.
"""

import jax, jax.numpy as jnp
import numpy as np

N_NODES = 10000
N_EDGES = 320000
IN_DIM = 128
HID = 64
OUT_DIM = 32


def setup_inputs(seed: int = 0) -> dict:
    key = jax.random.key(seed)
    ks = jax.random.split(key, 12)
    x = jax.random.normal(ks[0], (N_NODES, IN_DIM), dtype=jnp.float32)
    edge_index = jax.random.randint(ks[1], (2, N_EDGES), 0, N_NODES, dtype=jnp.int64) if jax.config.jax_enable_x64 else jax.random.randint(ks[1], (2, N_EDGES), 0, N_NODES, dtype=jnp.int32)
    # GCNConv 1: 128 -> 64
    W1 = jax.random.normal(ks[2], (IN_DIM, HID), dtype=jnp.float32) * (1.0 / np.sqrt(IN_DIM))
    b1 = jnp.zeros((HID,), dtype=jnp.float32)
    # GCNConv 2: 64 -> 32
    W2 = jax.random.normal(ks[3], (HID, OUT_DIM), dtype=jnp.float32) * (1.0 / np.sqrt(HID))
    b2 = jnp.zeros((OUT_DIM,), dtype=jnp.float32)
    # weight_predictor: Linear(32,64) -> ReLU -> Dropout(eval noop) -> Linear(64,1) -> Sigmoid
    Wp1 = jax.random.normal(ks[4], (OUT_DIM, HID), dtype=jnp.float32) * (1.0 / np.sqrt(OUT_DIM))
    bp1 = jnp.zeros((HID,), dtype=jnp.float32)
    Wp2 = jax.random.normal(ks[5], (HID, 1), dtype=jnp.float32) * (1.0 / np.sqrt(HID))
    bp2 = jnp.zeros((1,), dtype=jnp.float32)
    return {"x": x, "edge_index": edge_index, "W1": W1, "b1": b1, "W2": W2, "b2": b2,
            "Wp1": Wp1, "bp1": bp1, "Wp2": Wp2, "bp2": bp2}


def _gcn_conv(x, edge_index, W, b):
    # Faithful PyG GCNConv: linear transform, add self-loops, symmetric normalization, scatter-add, bias.
    N = x.shape[0]
    loop = jnp.arange(N, dtype=edge_index.dtype)
    src = jnp.concatenate([edge_index[0], loop])
    dst = jnp.concatenate([edge_index[1], loop])
    deg = jnp.zeros((N,), dtype=x.dtype).at[dst].add(1.0)
    deg_inv_sqrt = jnp.where(deg > 0, deg ** -0.5, 0.0)
    norm = deg_inv_sqrt[src] * deg_inv_sqrt[dst]
    h = x @ W
    msg = h[src] * norm[:, None]
    out = jnp.zeros((N, W.shape[1]), dtype=x.dtype).at[dst].add(msg)
    return out + b


def reference(x, edge_index, W1, b1, W2, b2, Wp1, bp1, Wp2, bp2):
    # Layer 1 + ReLU (dropout is a no-op in eval mode)
    h = _gcn_conv(x, edge_index, W1, b1)
    h = jax.nn.relu(h)
    # Layer 2 (final, no activation)
    h = _gcn_conv(h, edge_index, W2, b2)
    # weight predictor
    p = jax.nn.relu(h @ Wp1 + bp1)
    node_weights = jax.nn.sigmoid(p @ Wp2 + bp2)
    return (h, node_weights)

if __name__ == "__main__":
    import jax
    _d = setup_inputs()
    print(jax.jit(kernel)(*tuple(_d.values())))

</pallas_src>

<mosaic_0001>
#map = affine_map<(d0, d1) -> (0, 0)>
#map1 = affine_map<(d0, d1) -> (0, 0, 0)>
module attributes {stable_mosaic.version = 14 : i64} {
  func.func @prop(%arg0: i32, %arg1: i32, %arg2: memref<10240x32xf32, #tpu.memory_space<hbm>>, %arg3: memref<32x125x80xi32, #tpu.memory_space<hbm>>, %arg4: memref<32x125x80xi32, #tpu.memory_space<hbm>>, %arg5: memref<2x10240x32xf32, #tpu.memory_space<hbm>>, %arg6: memref<125x80xi32, #tpu.memory_space<vmem>>, %arg7: memref<125x80xi32, #tpu.memory_space<vmem>>, %arg8: memref<80x32xf32, #tpu.memory_space<vmem>>, %arg9: memref<10240x32xf32, #tpu.memory_space<vmem_shared>>, %arg10: memref<!tpu.dma_semaphore, #tpu.memory_space<semaphore_mem>>) attributes {dimension_semantics = [#tpu.dimension_semantics<core_parallel>, #tpu.dimension_semantics<subcore_parallel>], iteration_bounds = array<i64: 2, 16>, scalar_prefetch = 0 : i64, scratch_operands = 5 : i64, tpu.core_type = #tpu.core_type<sc_vector_subcore>, window_params = [{transform_indices = #map}, {transform_indices = #map1}, {transform_indices = #map1}, {transform_indices = #map1}]} {
    %mul3A = arith.constant 2 : i32
    %mul3A_0 = arith.muli %arg1, %mul3A : i32
    %add3A = arith.addi %mul3A_0, %arg0 : i32
    %mul3A_1 = arith.constant 640 : i32
    %mul3A_2 = arith.muli %arg1, %mul3A_1 : i32
    "tpu.region"() ({
      %run_scoped3A = tpu.sem_alloc : memref<!tpu.dma_semaphore, #tpu.memory_space<semaphore_mem>>
      %dma_start3A = arith.constant 0 : i32
      %dma_start3A_9 = tpu.memref_slice %arg9[%mul3A_2, %dma_start3A] : memref<10240x32xf32, #tpu.memory_space<vmem_shared>> -> memref<640x32xf32, #tpu.memory_space<vmem_shared>>
      %dma_start3A_10 = arith.constant 0 : i32
      %dma_start3A_11 = tpu.memref_slice %arg2[%mul3A_2, %dma_start3A_10] : memref<10240x32xf32, #tpu.memory_space<hbm>> -> memref<640x32xf32, #tpu.memory_space<hbm>>
      tpu.enqueue_dma source(%dma_start3A_11 : memref<640x32xf32, #tpu.memory_space<hbm>>) target(%dma_start3A_9 : memref<640x32xf32, #tpu.memory_space<vmem_shared>>) target_semaphore(%run_scoped3A : memref<!tpu.dma_semaphore, #tpu.memory_space<semaphore_mem>>)
      %dma_wait3A = arith.constant 0 : i32
      %dma_wait3A_12 = tpu.memref_slice %arg9[%mul3A_2, %dma_wait3A] : memref<10240x32xf32, #tpu.memory_space<vmem_shared>> -> memref<640x32xf32, #tpu.memory_space<vmem_shared>>
      %dma_wait3A_13 = arith.constant 0 : i32
      %dma_wait3A_14 = tpu.memref_slice %arg2[%mul3A_2, %dma_wait3A_13] : memref<10240x32xf32, #tpu.memory_space<hbm>> -> memref<640x32xf32, #tpu.memory_space<hbm>>
      tpu.wait_dma2 semaphore(%run_scoped3A : memref<!tpu.dma_semaphore, #tpu.memory_space<semaphore_mem>>) src(%dma_wait3A_14 : memref<640x32xf32, #tpu.memory_space<hbm>>) dst(%dma_wait3A_12 : memref<640x32xf32, #tpu.memory_space<vmem_shared>>)
      tpu.yield
    }) : () -> ()
    "tpu.region"() ({
      %run_scoped3A = tpu.sem_alloc : memref<!tpu.dma_semaphore, #tpu.memory_space<semaphore_mem>>
      %dma_start3A = arith.constant 0 : i32
      %dma_start3A_9 = arith.constant 0 : i32
      %dma_start3A_10 = tpu.memref_slice %arg3[%add3A, %dma_start3A, %dma_start3A_9] : memref<32x125x80xi32, #tpu.memory_space<hbm>> -> memref<1x125x80xi32, #tpu.memory_space<hbm>>
      %dma_start3A_11 = tpu.memref_squeeze %dma_start3A_10 : memref<1x125x80xi32, #tpu.memory_space<hbm>> -> memref<125x80xi32, #tpu.memory_space<hbm>>
      %dma_start3A_12 = arith.constant 0 : i32
      %dma_start3A_13 = arith.constant 0 : i32
      %dma_start3A_14 = tpu.memref_slice %arg3[%add3A, %dma_start3A_12, %dma_start3A_13] : memref<32x125x80xi32, #tpu.memory_space<hbm>> -> memref<1x125x80xi32, #tpu.memory_space<hbm>>
      %dma_start3A_15 = tpu.memref_squeeze %dma_start3A_14 : memref<1x125x80xi32, #tpu.memory_space<hbm>> -> memref<125x80xi32, #tpu.memory_space<hbm>>
      tpu.enqueue_dma source(%dma_start3A_15 : memref<125x80xi32, #tpu.memory_space<hbm>>) target(%arg6 : memref<125x80xi32, #tpu.memory_space<vmem>>) target_semaphore(%run_scoped3A : memref<!tpu.dma_semaphore, #tpu.memory_space<semaphore_mem>>)
      %dma_wait3A = arith.constant 0 : i32
      %dma_wait3A_16 = arith.constant 0 : i32
      %dma_wait3A_17 = tpu.memref_slice %arg3[%add3A, %dma_wait3A, %dma_wait3A_16] : memref<32x125x80xi32, #tpu.memory_space<hbm>> -> memref<1x125x80xi32, #tpu.memory_space<hbm>>
      %dma_wait3A_18 = tpu.memref_squeeze %dma_wait3A_17 : memref<1x125x80xi32, #tpu.memory_space<hbm>> -> memref<125x80xi32, #tpu.memory_space<hbm>>
      %dma_wait3A_19 = arith.constant 0 : i32
      %dma_wait3A_20 = arith.constant 0 : i32
      %dma_wait3A_21 = tpu.memref_slice %arg3[%add3A, %dma_wait3A_19, %dma_wait3A_20] : memref<32x125x80xi32, #tpu.memory_space<hbm>> -> memref<1x125x80xi32, #tpu.memory_space<hbm>>
      %dma_wait3A_22 = tpu.memref_squeeze %dma_wait3A_21 : memref<1x125x80xi32, #tpu.memory_space<hbm>> -> memref<125x80xi32, #tpu.memory_space<hbm>>
      tpu.wait_dma2 semaphore(%run_scoped3A : memref<!tpu.dma_semaphore, #tpu.memory_space<semaphore_mem>>) src(%dma_wait3A_22 : memref<125x80xi32, #tpu.memory_space<hbm>>) dst(%arg6 : memref<125x80xi32, #tpu.memory_space<vmem>>)
      tpu.yield
    }) : () -> ()
    "tpu.region"() ({
      %run_scoped3A = tpu.sem_alloc : memref<!tpu.dma_semaphore, #tpu.memory_space<semaphore_mem>>
      %dma_start3A = arith.constant 0 : i32
      %dma_start3A_9 = arith.constant 0 : i32
      %dma_start3A_10 = tpu.memref_slice %arg4[%add3A, %dma_start3A, %dma_start3A_9] : memref<32x125x80xi32, #tpu.memory_space<hbm>> -> memref<1x125x80xi32, #tpu.memory_space<hbm>>
      %dma_start3A_11 = tpu.memref_squeeze %dma_start3A_10 : memref<1x125x80xi32, #tpu.memory_space<hbm>> -> memref<125x80xi32, #tpu.memory_space<hbm>>
      %dma_start3A_12 = arith.constant 0 : i32
      %dma_start3A_13 = arith.constant 0 : i32
      %dma_start3A_14 = tpu.memref_slice %arg4[%add3A, %dma_start3A_12, %dma_start3A_13] : memref<32x125x80xi32, #tpu.memory_space<hbm>> -> memref<1x125x80xi32, #tpu.memory_space<hbm>>
      %dma_start3A_15 = tpu.memref_squeeze %dma_start3A_14 : memref<1x125x80xi32, #tpu.memory_space<hbm>> -> memref<125x80xi32, #tpu.memory_space<hbm>>
      tpu.enqueue_dma source(%dma_start3A_15 : memref<125x80xi32, #tpu.memory_space<hbm>>) target(%arg7 : memref<125x80xi32, #tpu.memory_space<vmem>>) target_semaphore(%run_scoped3A : memref<!tpu.dma_semaphore, #tpu.memory_space<semaphore_mem>>)
      %dma_wait3A = arith.constant 0 : i32
      %dma_wait3A_16 = arith.constant 0 : i32
      %dma_wait3A_17 = tpu.memref_slice %arg4[%add3A, %dma_wait3A, %dma_wait3A_16] : memref<32x125x80xi32, #tpu.memory_space<hbm>> -> memref<1x125x80xi32, #tpu.memory_space<hbm>>
      %dma_wait3A_18 = tpu.memref_squeeze %dma_wait3A_17 : memref<1x125x80xi32, #tpu.memory_space<hbm>> -> memref<125x80xi32, #tpu.memory_space<hbm>>
      %dma_wait3A_19 = arith.constant 0 : i32
      %dma_wait3A_20 = arith.constant 0 : i32
      %dma_wait3A_21 = tpu.memref_slice %arg4[%add3A, %dma_wait3A_19, %dma_wait3A_20] : memref<32x125x80xi32, #tpu.memory_space<hbm>> -> memref<1x125x80xi32, #tpu.memory_space<hbm>>
      %dma_wait3A_22 = tpu.memref_squeeze %dma_wait3A_21 : memref<1x125x80xi32, #tpu.memory_space<hbm>> -> memref<125x80xi32, #tpu.memory_space<hbm>>
      tpu.wait_dma2 semaphore(%run_scoped3A : memref<!tpu.dma_semaphore, #tpu.memory_space<semaphore_mem>>) src(%dma_wait3A_22 : memref<125x80xi32, #tpu.memory_space<hbm>>) dst(%arg7 : memref<125x80xi32, #tpu.memory_space<vmem>>)
      tpu.yield
    }) : () -> ()
    %barrier3A = arith.constant 0 : index
    tpu.barrier barrier_id(%barrier3A)
    %scan3A = arith.constant 0 : i32
    %scan3A_3 = arith.constant 0 : i32
    %scan3A_4 = arith.constant 125 : i32
    %scan3A_5 = arith.addi %scan3A_3, %scan3A_4 : i32
    %scan3A_6 = arith.constant 1 : i32
    scf.for %scan3A_9 = %scan3A_3 to %scan3A_5 step %scan3A_6  : i32 {
      %dma_start3A = arith.constant 0 : i32
      %dma_start3A_10 = tpu.memref_slice %arg6[%scan3A_9, %dma_start3A] : memref<125x80xi32, #tpu.memory_space<vmem>> -> memref<1x80xi32, #tpu.memory_space<vmem>>
      %dma_start3A_11 = tpu.memref_squeeze %dma_start3A_10 : memref<1x80xi32, #tpu.memory_space<vmem>> -> memref<80xi32, #tpu.memory_space<vmem>>
      %dma_start3A_12 = arith.constant 0 : i32
      %dma_start3A_13 = arith.constant 0 : i32
      %dma_start3A_14 = tpu.memref_slice %arg2[%dma_start3A_12, %dma_start3A_13] : memref<10240x32xf32, #tpu.memory_space<hbm>> -> memref<10240x32xf32, #tpu.memory_space<hbm>>
      tpu.enqueue_indirect_dma source(%dma_start3A_14 : memref<10240x32xf32, #tpu.memory_space<hbm>>) target(%arg8 : memref<80x32xf32, #tpu.memory_space<vmem>>) offsets(%dma_start3A_11 : memref<80xi32, #tpu.memory_space<vmem>>) semaphore(%arg10 : memref<!tpu.dma_semaphore, #tpu.memory_space<semaphore_mem>>)
      %dma_wait3A = arith.constant 0 : i32
      %dma_wait3A_15 = tpu.memref_slice %arg6[%scan3A_9, %dma_wait3A] : memref<125x80xi32, #tpu.memory_space<vmem>> -> memref<1x80xi32, #tpu.memory_space<vmem>>
      %dma_wait3A_16 = tpu.memref_squeeze %dma_wait3A_15 : memref<1x80xi32, #tpu.memory_space<vmem>> -> memref<80xi32, #tpu.memory_space<vmem>>
      %dma_wait3A_17 = arith.constant 0 : i32
      %dma_wait3A_18 = arith.constant 0 : i32
      %dma_wait3A_19 = tpu.memref_slice %arg2[%dma_wait3A_17, %dma_wait3A_18] : memref<10240x32xf32, #tpu.memory_space<hbm>> -> memref<10240x32xf32, #tpu.memory_space<hbm>>
      tpu.wait_indirect_dma semaphore(%arg10 : memref<!tpu.dma_semaphore, #tpu.memory_space<semaphore_mem>>) src(%dma_wait3A_19 : memref<10240x32xf32, #tpu.memory_space<hbm>>) dst(%arg8 : memref<80x32xf32, #tpu.memory_space<vmem>>)
      "tpu.region"() ({
        %run_scoped3A = tpu.sem_alloc : memref<!tpu.dma_semaphore, #tpu.memory_space<semaphore_mem>>
        %dma_start3A_20 = arith.constant 0 : i32
        %dma_start3A_21 = tpu.memref_slice %arg7[%scan3A_9, %dma_start3A_20] : memref<125x80xi32, #tpu.memory_space<vmem>> -> memref<1x80xi32, #tpu.memory_space<vmem>>
        %dma_start3A_22 = tpu.memref_squeeze %dma_start3A_21 : memref<1x80xi32, #tpu.memory_space<vmem>> -> memref<80xi32, #tpu.memory_space<vmem>>
        %dma_start3A_23 = arith.constant 0 : i32
        %dma_start3A_24 = arith.constant 0 : i32
        %dma_start3A_25 = tpu.memref_slice %arg9[%dma_start3A_23, %dma_start3A_24] : memref<10240x32xf32, #tpu.memory_space<vmem_shared>> -> memref<10240x32xf32, #tpu.memory_space<vmem_shared>>
        tpu.enqueue_indirect_dma source(%arg8 : memref<80x32xf32, #tpu.memory_space<vmem>>) target(%dma_start3A_25 : memref<10240x32xf32, #tpu.memory_space<vmem_shared>>) offsets(%dma_start3A_22 : memref<80xi32, #tpu.memory_space<vmem>>) semaphore(%run_scoped3A : memref<!tpu.dma_semaphore, #tpu.memory_space<semaphore_mem>>) {add = true}
        %dma_wait3A_26 = arith.constant 0 : i32
        %dma_wait3A_27 = tpu.memref_slice %arg7[%scan3A_9, %dma_wait3A_26] : memref<125x80xi32, #tpu.memory_space<vmem>> -> memref<1x80xi32, #tpu.memory_space<vmem>>
        %dma_wait3A_28 = tpu.memref_squeeze %dma_wait3A_27 : memref<1x80xi32, #tpu.memory_space<vmem>> -> memref<80xi32, #tpu.memory_space<vmem>>
        %dma_wait3A_29 = arith.constant 0 : i32
        %dma_wait3A_30 = arith.constant 0 : i32
        %dma_wait3A_31 = tpu.memref_slice %arg9[%dma_wait3A_29, %dma_wait3A_30] : memref<10240x32xf32, #tpu.memory_space<vmem_shared>> -> memref<10240x32xf32, #tpu.memory_space<vmem_shared>>
        tpu.wait_indirect_dma semaphore(%run_scoped3A : memref<!tpu.dma_semaphore, #tpu.memory_space<semaphore_mem>>) src(%arg8 : memref<80x32xf32, #tpu.memory_space<vmem>>) dst(%dma_wait3A_31 : memref<10240x32xf32, #tpu.memory_space<vmem_shared>>)
        tpu.yield
      }) : () -> ()
    }
    %scan3A_7 = arith.constant 125 : i32
    %barrier3A_8 = arith.constant 0 : index
    tpu.barrier barrier_id(%barrier3A_8)
    "tpu.region"() ({
      %run_scoped3A = tpu.sem_alloc : memref<!tpu.dma_semaphore, #tpu.memory_space<semaphore_mem>>
      %dma_start3A = arith.constant 0 : i32
      %dma_start3A_9 = arith.constant 0 : i32
      %dma_start3A_10 = tpu.memref_slice %arg5[%arg0, %dma_start3A, %dma_start3A_9] : memref<2x10240x32xf32, #tpu.memory_space<hbm>> -> memref<1x10240x32xf32, #tpu.memory_space<hbm>>
      %dma_start3A_11 = tpu.memref_squeeze %dma_start3A_10 : memref<1x10240x32xf32, #tpu.memory_space<hbm>> -> memref<10240x32xf32, #tpu.memory_space<hbm>>
      %dma_start3A_12 = arith.constant 0 : i32
      %dma_start3A_13 = tpu.memref_slice %dma_start3A_11[%mul3A_2, %dma_start3A_12] : memref<10240x32xf32, #tpu.memory_space<hbm>> -> memref<640x32xf32, #tpu.memory_space<hbm>>
      %dma_start3A_14 = arith.constant 0 : i32
      %dma_start3A_15 = tpu.memref_slice %arg9[%mul3A_2, %dma_start3A_14] : memref<10240x32xf32, #tpu.memory_space<vmem_shared>> -> memref<640x32xf32, #tpu.memory_space<vmem_shared>>
      tpu.enqueue_dma source(%dma_start3A_15 : memref<640x32xf32, #tpu.memory_space<vmem_shared>>) target(%dma_start3A_13 : memref<640x32xf32, #tpu.memory_space<hbm>>) target_semaphore(%run_scoped3A : memref<!tpu.dma_semaphore, #tpu.memory_space<semaphore_mem>>)
      %dma_wait3A = arith.constant 0 : i32
      %dma_wait3A_16 = arith.constant 0 : i32
      %dma_wait3A_17 = tpu.memref_slice %arg5[%arg0, %dma_wait3A, %dma_wait3A_16] : memref<2x10240x32xf32, #tpu.memory_space<hbm>> -> memref<1x10240x32xf32, #tpu.memory_space<hbm>>
      %dma_wait3A_18 = tpu.memref_squeeze %dma_wait3A_17 : memref<1x10240x32xf32, #tpu.memory_space<hbm>> -> memref<10240x32xf32, #tpu.memory_space<hbm>>
      %dma_wait3A_19 = arith.constant 0 : i32
      %dma_wait3A_20 = tpu.memref_slice %dma_wait3A_18[%mul3A_2, %dma_wait3A_19] : memref<10240x32xf32, #tpu.memory_space<hbm>> -> memref<640x32xf32, #tpu.memory_space<hbm>>
      %dma_wait3A_21 = arith.constant 0 : i32
      %dma_wait3A_22 = tpu.memref_slice %arg9[%mul3A_2, %dma_wait3A_21] : memref<10240x32xf32, #tpu.memory_space<vmem_shared>> -> memref<640x32xf32, #tpu.memory_space<vmem_shared>>
      tpu.wait_dma2 semaphore(%run_scoped3A : memref<!tpu.dma_semaphore, #tpu.memory_space<semaphore_mem>>) src(%dma_wait3A_22 : memref<640x32xf32, #tpu.memory_space<vmem_shared>>) dst(%dma_wait3A_20 : memref<640x32xf32, #tpu.memory_space<hbm>>)
      tpu.yield
    }) : () -> ()
    return
  }
}

#map = affine_map<(d0, d1) -> (0, 0)>
#map1 = affine_map<(d0, d1) -> (0, 0, 0)>
module attributes {stable_mosaic.version = 14 : i64} {
  func.func @prop(%arg0: i32, %arg1: i32, %arg2: memref<10240x16xf32, #tpu.memory_space<hbm>>, %arg3: memref<32x125x80xi32, #tpu.memory_space<hbm>>, %arg4: memref<32x125x80xi32, #tpu.memory_space<hbm>>, %arg5: memref<2x10240x16xf32, #tpu.memory_space<hbm>>, %arg6: memref<125x80xi32, #tpu.memory_space<vmem>>, %arg7: memref<125x80xi32, #tpu.memory_space<vmem>>, %arg8: memref<80x16xf32, #tpu.memory_space<vmem>>, %arg9: memref<10240x16xf32, #tpu.memory_space<vmem_shared>>, %arg10: memref<!tpu.dma_semaphore, #tpu.memory_space<semaphore_mem>>) attributes {dimension_semantics = [#tpu.dimension_semantics<core_parallel>, #tpu.dimension_semantics<subcore_parallel>], iteration_bounds = array<i64: 2, 16>, scalar_prefetch = 0 : i64, scratch_operands = 5 : i64, tpu.core_type = #tpu.core_type<sc_vector_subcore>, window_params = [{transform_indices = #map}, {transform_indices = #map1}, {transform_indices = #map1}, {transform_indices = #map1}]} {
    %mul3A = arith.constant 2 : i32
    %mul3A_0 = arith.muli %arg1, %mul3A : i32
    %add3A = arith.addi %mul3A_0, %arg0 : i32
    %mul3A_1 = arith.constant 640 : i32
    %mul3A_2 = arith.muli %arg1, %mul3A_1 : i32
    "tpu.region"() ({
      %run_scoped3A = tpu.sem_alloc : memref<!tpu.dma_semaphore, #tpu.memory_space<semaphore_mem>>
      %dma_start3A = arith.constant 0 : i32
      %dma_start3A_9 = tpu.memref_slice %arg9[%mul3A_2, %dma_start3A] : memref<10240x16xf32, #tpu.memory_space<vmem_shared>> -> memref<640x16xf32, #tpu.memory_space<vmem_shared>>
      %dma_start3A_10 = arith.constant 0 : i32
      %dma_start3A_11 = tpu.memref_slice %arg2[%mul3A_2, %dma_start3A_10] : memref<10240x16xf32, #tpu.memory_space<hbm>> -> memref<640x16xf32, #tpu.memory_space<hbm>>
      tpu.enqueue_dma source(%dma_start3A_11 : memref<640x16xf32, #tpu.memory_space<hbm>>) target(%dma_start3A_9 : memref<640x16xf32, #tpu.memory_space<vmem_shared>>) target_semaphore(%run_scoped3A : memref<!tpu.dma_semaphore, #tpu.memory_space<semaphore_mem>>)
      %dma_wait3A = arith.constant 0 : i32
      %dma_wait3A_12 = tpu.memref_slice %arg9[%mul3A_2, %dma_wait3A] : memref<10240x16xf32, #tpu.memory_space<vmem_shared>> -> memref<640x16xf32, #tpu.memory_space<vmem_shared>>
      %dma_wait3A_13 = arith.constant 0 : i32
      %dma_wait3A_14 = tpu.memref_slice %arg2[%mul3A_2, %dma_wait3A_13] : memref<10240x16xf32, #tpu.memory_space<hbm>> -> memref<640x16xf32, #tpu.memory_space<hbm>>
      tpu.wait_dma2 semaphore(%run_scoped3A : memref<!tpu.dma_semaphore, #tpu.memory_space<semaphore_mem>>) src(%dma_wait3A_14 : memref<640x16xf32, #tpu.memory_space<hbm>>) dst(%dma_wait3A_12 : memref<640x16xf32, #tpu.memory_space<vmem_shared>>)
      tpu.yield
    }) : () -> ()
    "tpu.region"() ({
      %run_scoped3A = tpu.sem_alloc : memref<!tpu.dma_semaphore, #tpu.memory_space<semaphore_mem>>
      %dma_start3A = arith.constant 0 : i32
      %dma_start3A_9 = arith.constant 0 : i32
      %dma_start3A_10 = tpu.memref_slice %arg3[%add3A, %dma_start3A, %dma_start3A_9] : memref<32x125x80xi32, #tpu.memory_space<hbm>> -> memref<1x125x80xi32, #tpu.memory_space<hbm>>
      %dma_start3A_11 = tpu.memref_squeeze %dma_start3A_10 : memref<1x125x80xi32, #tpu.memory_space<hbm>> -> memref<125x80xi32, #tpu.memory_space<hbm>>
      %dma_start3A_12 = arith.constant 0 : i32
      %dma_start3A_13 = arith.constant 0 : i32
      %dma_start3A_14 = tpu.memref_slice %arg3[%add3A, %dma_start3A_12, %dma_start3A_13] : memref<32x125x80xi32, #tpu.memory_space<hbm>> -> memref<1x125x80xi32, #tpu.memory_space<hbm>>
      %dma_start3A_15 = tpu.memref_squeeze %dma_start3A_14 : memref<1x125x80xi32, #tpu.memory_space<hbm>> -> memref<125x80xi32, #tpu.memory_space<hbm>>
      tpu.enqueue_dma source(%dma_start3A_15 : memref<125x80xi32, #tpu.memory_space<hbm>>) target(%arg6 : memref<125x80xi32, #tpu.memory_space<vmem>>) target_semaphore(%run_scoped3A : memref<!tpu.dma_semaphore, #tpu.memory_space<semaphore_mem>>)
      %dma_wait3A = arith.constant 0 : i32
      %dma_wait3A_16 = arith.constant 0 : i32
      %dma_wait3A_17 = tpu.memref_slice %arg3[%add3A, %dma_wait3A, %dma_wait3A_16] : memref<32x125x80xi32, #tpu.memory_space<hbm>> -> memref<1x125x80xi32, #tpu.memory_space<hbm>>
      %dma_wait3A_18 = tpu.memref_squeeze %dma_wait3A_17 : memref<1x125x80xi32, #tpu.memory_space<hbm>> -> memref<125x80xi32, #tpu.memory_space<hbm>>
      %dma_wait3A_19 = arith.constant 0 : i32
      %dma_wait3A_20 = arith.constant 0 : i32
      %dma_wait3A_21 = tpu.memref_slice %arg3[%add3A, %dma_wait3A_19, %dma_wait3A_20] : memref<32x125x80xi32, #tpu.memory_space<hbm>> -> memref<1x125x80xi32, #tpu.memory_space<hbm>>
      %dma_wait3A_22 = tpu.memref_squeeze %dma_wait3A_21 : memref<1x125x80xi32, #tpu.memory_space<hbm>> -> memref<125x80xi32, #tpu.memory_space<hbm>>
      tpu.wait_dma2 semaphore(%run_scoped3A : memref<!tpu.dma_semaphore, #tpu.memory_space<semaphore_mem>>) src(%dma_wait3A_22 : memref<125x80xi32, #tpu.memory_space<hbm>>) dst(%arg6 : memref<125x80xi32, #tpu.memory_space<vmem>>)
      tpu.yield
    }) : () -> ()
    "tpu.region"() ({
      %run_scoped3A = tpu.sem_alloc : memref<!tpu.dma_semaphore, #tpu.memory_space<semaphore_mem>>
      %dma_start3A = arith.constant 0 : i32
      %dma_start3A_9 = arith.constant 0 : i32
      %dma_start3A_10 = tpu.memref_slice %arg4[%add3A, %dma_start3A, %dma_start3A_9] : memref<32x125x80xi32, #tpu.memory_space<hbm>> -> memref<1x125x80xi32, #tpu.memory_space<hbm>>
      %dma_start3A_11 = tpu.memref_squeeze %dma_start3A_10 : memref<1x125x80xi32, #tpu.memory_space<hbm>> -> memref<125x80xi32, #tpu.memory_space<hbm>>
      %dma_start3A_12 = arith.constant 0 : i32
      %dma_start3A_13 = arith.constant 0 : i32
      %dma_start3A_14 = tpu.memref_slice %arg4[%add3A, %dma_start3A_12, %dma_start3A_13] : memref<32x125x80xi32, #tpu.memory_space<hbm>> -> memref<1x125x80xi32, #tpu.memory_space<hbm>>
      %dma_start3A_15 = tpu.memref_squeeze %dma_start3A_14 : memref<1x125x80xi32, #tpu.memory_space<hbm>> -> memref<125x80xi32, #tpu.memory_space<hbm>>
      tpu.enqueue_dma source(%dma_start3A_15 : memref<125x80xi32, #tpu.memory_space<hbm>>) target(%arg7 : memref<125x80xi32, #tpu.memory_space<vmem>>) target_semaphore(%run_scoped3A : memref<!tpu.dma_semaphore, #tpu.memory_space<semaphore_mem>>)
      %dma_wait3A = arith.constant 0 : i32
      %dma_wait3A_16 = arith.constant 0 : i32
      %dma_wait3A_17 = tpu.memref_slice %arg4[%add3A, %dma_wait3A, %dma_wait3A_16] : memref<32x125x80xi32, #tpu.memory_space<hbm>> -> memref<1x125x80xi32, #tpu.memory_space<hbm>>
      %dma_wait3A_18 = tpu.memref_squeeze %dma_wait3A_17 : memref<1x125x80xi32, #tpu.memory_space<hbm>> -> memref<125x80xi32, #tpu.memory_space<hbm>>
      %dma_wait3A_19 = arith.constant 0 : i32
      %dma_wait3A_20 = arith.constant 0 : i32
      %dma_wait3A_21 = tpu.memref_slice %arg4[%add3A, %dma_wait3A_19, %dma_wait3A_20] : memref<32x125x80xi32, #tpu.memory_space<hbm>> -> memref<1x125x80xi32, #tpu.memory_space<hbm>>
      %dma_wait3A_22 = tpu.memref_squeeze %dma_wait3A_21 : memref<1x125x80xi32, #tpu.memory_space<hbm>> -> memref<125x80xi32, #tpu.memory_space<hbm>>
      tpu.wait_dma2 semaphore(%run_scoped3A : memref<!tpu.dma_semaphore, #tpu.memory_space<semaphore_mem>>) src(%dma_wait3A_22 : memref<125x80xi32, #tpu.memory_space<hbm>>) dst(%arg7 : memref<125x80xi32, #tpu.memory_space<vmem>>)
      tpu.yield
    }) : () -> ()
    %barrier3A = arith.constant 0 : index
    tpu.barrier barrier_id(%barrier3A)
    %scan3A = arith.constant 0 : i32
    %scan3A_3 = arith.constant 0 : i32
    %scan3A_4 = arith.constant 125 : i32
    %scan3A_5 = arith.addi %scan3A_3, %scan3A_4 : i32
    %scan3A_6 = arith.constant 1 : i32
    scf.for %scan3A_9 = %scan3A_3 to %scan3A_5 step %scan3A_6  : i32 {
      %dma_start3A = arith.constant 0 : i32
      %dma_start3A_10 = tpu.memref_slice %arg6[%scan3A_9, %dma_start3A] : memref<125x80xi32, #tpu.memory_space<vmem>> -> memref<1x80xi32, #tpu.memory_space<vmem>>
      %dma_start3A_11 = tpu.memref_squeeze %dma_start3A_10 : memref<1x80xi32, #tpu.memory_space<vmem>> -> memref<80xi32, #tpu.memory_space<vmem>>
      %dma_start3A_12 = arith.constant 0 : i32
      %dma_start3A_13 = arith.constant 0 : i32
      %dma_start3A_14 = tpu.memref_slice %arg2[%dma_start3A_12, %dma_start3A_13] : memref<10240x16xf32, #tpu.memory_space<hbm>> -> memref<10240x16xf32, #tpu.memory_space<hbm>>
      tpu.enqueue_indirect_dma source(%dma_start3A_14 : memref<10240x16xf32, #tpu.memory_space<hbm>>) target(%arg8 : memref<80x16xf32, #tpu.memory_space<vmem>>) offsets(%dma_start3A_11 : memref<80xi32, #tpu.memory_space<vmem>>) semaphore(%arg10 : memref<!tpu.dma_semaphore, #tpu.memory_space<semaphore_mem>>)
      %dma_wait3A = arith.constant 0 : i32
      %dma_wait3A_15 = tpu.memref_slice %arg6[%scan3A_9, %dma_wait3A] : memref<125x80xi32, #tpu.memory_space<vmem>> -> memref<1x80xi32, #tpu.memory_space<vmem>>
      %dma_wait3A_16 = tpu.memref_squeeze %dma_wait3A_15 : memref<1x80xi32, #tpu.memory_space<vmem>> -> memref<80xi32, #tpu.memory_space<vmem>>
      %dma_wait3A_17 = arith.constant 0 : i32
      %dma_wait3A_18 = arith.constant 0 : i32
      %dma_wait3A_19 = tpu.memref_slice %arg2[%dma_wait3A_17, %dma_wait3A_18] : memref<10240x16xf32, #tpu.memory_space<hbm>> -> memref<10240x16xf32, #tpu.memory_space<hbm>>
      tpu.wait_indirect_dma semaphore(%arg10 : memref<!tpu.dma_semaphore, #tpu.memory_space<semaphore_mem>>) src(%dma_wait3A_19 : memref<10240x16xf32, #tpu.memory_space<hbm>>) dst(%arg8 : memref<80x16xf32, #tpu.memory_space<vmem>>)
      "tpu.region"() ({
        %run_scoped3A = tpu.sem_alloc : memref<!tpu.dma_semaphore, #tpu.memory_space<semaphore_mem>>
        %dma_start3A_20 = arith.constant 0 : i32
        %dma_start3A_21 = tpu.memref_slice %arg7[%scan3A_9, %dma_start3A_20] : memref<125x80xi32, #tpu.memory_space<vmem>> -> memref<1x80xi32, #tpu.memory_space<vmem>>
        %dma_start3A_22 = tpu.memref_squeeze %dma_start3A_21 : memref<1x80xi32, #tpu.memory_space<vmem>> -> memref<80xi32, #tpu.memory_space<vmem>>
        %dma_start3A_23 = arith.constant 0 : i32
        %dma_start3A_24 = arith.constant 0 : i32
        %dma_start3A_25 = tpu.memref_slice %arg9[%dma_start3A_23, %dma_start3A_24] : memref<10240x16xf32, #tpu.memory_space<vmem_shared>> -> memref<10240x16xf32, #tpu.memory_space<vmem_shared>>
        tpu.enqueue_indirect_dma source(%arg8 : memref<80x16xf32, #tpu.memory_space<vmem>>) target(%dma_start3A_25 : memref<10240x16xf32, #tpu.memory_space<vmem_shared>>) offsets(%dma_start3A_22 : memref<80xi32, #tpu.memory_space<vmem>>) semaphore(%run_scoped3A : memref<!tpu.dma_semaphore, #tpu.memory_space<semaphore_mem>>) {add = true}
        %dma_wait3A_26 = arith.constant 0 : i32
        %dma_wait3A_27 = tpu.memref_slice %arg7[%scan3A_9, %dma_wait3A_26] : memref<125x80xi32, #tpu.memory_space<vmem>> -> memref<1x80xi32, #tpu.memory_space<vmem>>
        %dma_wait3A_28 = tpu.memref_squeeze %dma_wait3A_27 : memref<1x80xi32, #tpu.memory_space<vmem>> -> memref<80xi32, #tpu.memory_space<vmem>>
        %dma_wait3A_29 = arith.constant 0 : i32
        %dma_wait3A_30 = arith.constant 0 : i32
        %dma_wait3A_31 = tpu.memref_slice %arg9[%dma_wait3A_29, %dma_wait3A_30] : memref<10240x16xf32, #tpu.memory_space<vmem_shared>> -> memref<10240x16xf32, #tpu.memory_space<vmem_shared>>
        tpu.wait_indirect_dma semaphore(%run_scoped3A : memref<!tpu.dma_semaphore, #tpu.memory_space<semaphore_mem>>) src(%arg8 : memref<80x16xf32, #tpu.memory_space<vmem>>) dst(%dma_wait3A_31 : memref<10240x16xf32, #tpu.memory_space<vmem_shared>>)
        tpu.yield
      }) : () -> ()
    }
    %scan3A_7 = arith.constant 125 : i32
    %barrier3A_8 = arith.constant 0 : index
    tpu.barrier barrier_id(%barrier3A_8)
    "tpu.region"() ({
      %run_scoped3A = tpu.sem_alloc : memref<!tpu.dma_semaphore, #tpu.memory_space<semaphore_mem>>
      %dma_start3A = arith.constant 0 : i32
      %dma_start3A_9 = arith.constant 0 : i32
      %dma_start3A_10 = tpu.memref_slice %arg5[%arg0, %dma_start3A, %dma_start3A_9] : memref<2x10240x16xf32, #tpu.memory_space<hbm>> -> memref<1x10240x16xf32, #tpu.memory_space<hbm>>
      %dma_start3A_11 = tpu.memref_squeeze %dma_start3A_10 : memref<1x10240x16xf32, #tpu.memory_space<hbm>> -> memref<10240x16xf32, #tpu.memory_space<hbm>>
      %dma_start3A_12 = arith.constant 0 : i32
      %dma_start3A_13 = tpu.memref_slice %dma_start3A_11[%mul3A_2, %dma_start3A_12] : memref<10240x16xf32, #tpu.memory_space<hbm>> -> memref<640x16xf32, #tpu.memory_space<hbm>>
      %dma_start3A_14 = arith.constant 0 : i32
      %dma_start3A_15 = tpu.memref_slice %arg9[%mul3A_2, %dma_start3A_14] : memref<10240x16xf32, #tpu.memory_space<vmem_shared>> -> memref<640x16xf32, #tpu.memory_space<vmem_shared>>
      tpu.enqueue_dma source(%dma_start3A_15 : memref<640x16xf32, #tpu.memory_space<vmem_shared>>) target(%dma_start3A_13 : memref<640x16xf32, #tpu.memory_space<hbm>>) target_semaphore(%run_scoped3A : memref<!tpu.dma_semaphore, #tpu.memory_space<semaphore_mem>>)
      %dma_wait3A = arith.constant 0 : i32
      %dma_wait3A_16 = arith.constant 0 : i32
      %dma_wait3A_17 = tpu.memref_slice %arg5[%arg0, %dma_wait3A, %dma_wait3A_16] : memref<2x10240x16xf32, #tpu.memory_space<hbm>> -> memref<1x10240x16xf32, #tpu.memory_space<hbm>>
      %dma_wait3A_18 = tpu.memref_squeeze %dma_wait3A_17 : memref<1x10240x16xf32, #tpu.memory_space<hbm>> -> memref<10240x16xf32, #tpu.memory_space<hbm>>
      %dma_wait3A_19 = arith.constant 0 : i32
      %dma_wait3A_20 = tpu.memref_slice %dma_wait3A_18[%mul3A_2, %dma_wait3A_19] : memref<10240x16xf32, #tpu.memory_space<hbm>> -> memref<640x16xf32, #tpu.memory_space<hbm>>
      %dma_wait3A_21 = arith.constant 0 : i32
      %dma_wait3A_22 = tpu.memref_slice %arg9[%mul3A_2, %dma_wait3A_21] : memref<10240x16xf32, #tpu.memory_space<vmem_shared>> -> memref<640x16xf32, #tpu.memory_space<vmem_shared>>
      tpu.wait_dma2 semaphore(%run_scoped3A : memref<!tpu.dma_semaphore, #tpu.memory_space<semaphore_mem>>) src(%dma_wait3A_22 : memref<640x16xf32, #tpu.memory_space<vmem_shared>>) dst(%dma_wait3A_20 : memref<640x16xf32, #tpu.memory_space<hbm>>)
      tpu.yield
    }) : () -> ()
    return
  }
}

#map = affine_map<(d0, d1) -> (0, 0)>
#map1 = affine_map<(d0, d1) -> (0, 0, 0)>
module attributes {stable_mosaic.version = 14 : i64} {
  func.func @prop(%arg0: i32, %arg1: i32, %arg2: memref<10240x64xf32, #tpu.memory_space<hbm>>, %arg3: memref<32x125x80xi32, #tpu.memory_space<hbm>>, %arg4: memref<32x125x80xi32, #tpu.memory_space<hbm>>, %arg5: memref<2x10240x64xf32, #tpu.memory_space<hbm>>, %arg6: memref<125x80xi32, #tpu.memory_space<vmem>>, %arg7: memref<125x80xi32, #tpu.memory_space<vmem>>, %arg8: memref<80x64xf32, #tpu.memory_space<vmem>>, %arg9: memref<10240x64xf32, #tpu.memory_space<vmem_shared>>, %arg10: memref<!tpu.dma_semaphore, #tpu.memory_space<semaphore_mem>>) attributes {dimension_semantics = [#tpu.dimension_semantics<core_parallel>, #tpu.dimension_semantics<subcore_parallel>], iteration_bounds = array<i64: 2, 16>, scalar_prefetch = 0 : i64, scratch_operands = 5 : i64, tpu.core_type = #tpu.core_type<sc_vector_subcore>, window_params = [{transform_indices = #map}, {transform_indices = #map1}, {transform_indices = #map1}, {transform_indices = #map1}]} {
    %mul3A = arith.constant 2 : i32
    %mul3A_0 = arith.muli %arg1, %mul3A : i32
    %add3A = arith.addi %mul3A_0, %arg0 : i32
    %mul3A_1 = arith.constant 640 : i32
    %mul3A_2 = arith.muli %arg1, %mul3A_1 : i32
    "tpu.region"() ({
      %run_scoped3A = tpu.sem_alloc : memref<!tpu.dma_semaphore, #tpu.memory_space<semaphore_mem>>
      %dma_start3A = arith.constant 0 : i32
      %dma_start3A_9 = tpu.memref_slice %arg9[%mul3A_2, %dma_start3A] : memref<10240x64xf32, #tpu.memory_space<vmem_shared>> -> memref<640x64xf32, #tpu.memory_space<vmem_shared>>
      %dma_start3A_10 = arith.constant 0 : i32
      %dma_start3A_11 = tpu.memref_slice %arg2[%mul3A_2, %dma_start3A_10] : memref<10240x64xf32, #tpu.memory_space<hbm>> -> memref<640x64xf32, #tpu.memory_space<hbm>>
      tpu.enqueue_dma source(%dma_start3A_11 : memref<640x64xf32, #tpu.memory_space<hbm>>) target(%dma_start3A_9 : memref<640x64xf32, #tpu.memory_space<vmem_shared>>) target_semaphore(%run_scoped3A : memref<!tpu.dma_semaphore, #tpu.memory_space<semaphore_mem>>)
      %dma_wait3A = arith.constant 0 : i32
      %dma_wait3A_12 = tpu.memref_slice %arg9[%mul3A_2, %dma_wait3A] : memref<10240x64xf32, #tpu.memory_space<vmem_shared>> -> memref<640x64xf32, #tpu.memory_space<vmem_shared>>
      %dma_wait3A_13 = arith.constant 0 : i32
      %dma_wait3A_14 = tpu.memref_slice %arg2[%mul3A_2, %dma_wait3A_13] : memref<10240x64xf32, #tpu.memory_space<hbm>> -> memref<640x64xf32, #tpu.memory_space<hbm>>
      tpu.wait_dma2 semaphore(%run_scoped3A : memref<!tpu.dma_semaphore, #tpu.memory_space<semaphore_mem>>) src(%dma_wait3A_14 : memref<640x64xf32, #tpu.memory_space<hbm>>) dst(%dma_wait3A_12 : memref<640x64xf32, #tpu.memory_space<vmem_shared>>)
      tpu.yield
    }) : () -> ()
    "tpu.region"() ({
      %run_scoped3A = tpu.sem_alloc : memref<!tpu.dma_semaphore, #tpu.memory_space<semaphore_mem>>
      %dma_start3A = arith.constant 0 : i32
      %dma_start3A_9 = arith.constant 0 : i32
      %dma_start3A_10 = tpu.memref_slice %arg3[%add3A, %dma_start3A, %dma_start3A_9] : memref<32x125x80xi32, #tpu.memory_space<hbm>> -> memref<1x125x80xi32, #tpu.memory_space<hbm>>
      %dma_start3A_11 = tpu.memref_squeeze %dma_start3A_10 : memref<1x125x80xi32, #tpu.memory_space<hbm>> -> memref<125x80xi32, #tpu.memory_space<hbm>>
      %dma_start3A_12 = arith.constant 0 : i32
      %dma_start3A_13 = arith.constant 0 : i32
      %dma_start3A_14 = tpu.memref_slice %arg3[%add3A, %dma_start3A_12, %dma_start3A_13] : memref<32x125x80xi32, #tpu.memory_space<hbm>> -> memref<1x125x80xi32, #tpu.memory_space<hbm>>
      %dma_start3A_15 = tpu.memref_squeeze %dma_start3A_14 : memref<1x125x80xi32, #tpu.memory_space<hbm>> -> memref<125x80xi32, #tpu.memory_space<hbm>>
      tpu.enqueue_dma source(%dma_start3A_15 : memref<125x80xi32, #tpu.memory_space<hbm>>) target(%arg6 : memref<125x80xi32, #tpu.memory_space<vmem>>) target_semaphore(%run_scoped3A : memref<!tpu.dma_semaphore, #tpu.memory_space<semaphore_mem>>)
      %dma_wait3A = arith.constant 0 : i32
      %dma_wait3A_16 = arith.constant 0 : i32
      %dma_wait3A_17 = tpu.memref_slice %arg3[%add3A, %dma_wait3A, %dma_wait3A_16] : memref<32x125x80xi32, #tpu.memory_space<hbm>> -> memref<1x125x80xi32, #tpu.memory_space<hbm>>
      %dma_wait3A_18 = tpu.memref_squeeze %dma_wait3A_17 : memref<1x125x80xi32, #tpu.memory_space<hbm>> -> memref<125x80xi32, #tpu.memory_space<hbm>>
      %dma_wait3A_19 = arith.constant 0 : i32
      %dma_wait3A_20 = arith.constant 0 : i32
      %dma_wait3A_21 = tpu.memref_slice %arg3[%add3A, %dma_wait3A_19, %dma_wait3A_20] : memref<32x125x80xi32, #tpu.memory_space<hbm>> -> memref<1x125x80xi32, #tpu.memory_space<hbm>>
      %dma_wait3A_22 = tpu.memref_squeeze %dma_wait3A_21 : memref<1x125x80xi32, #tpu.memory_space<hbm>> -> memref<125x80xi32, #tpu.memory_space<hbm>>
      tpu.wait_dma2 semaphore(%run_scoped3A : memref<!tpu.dma_semaphore, #tpu.memory_space<semaphore_mem>>) src(%dma_wait3A_22 : memref<125x80xi32, #tpu.memory_space<hbm>>) dst(%arg6 : memref<125x80xi32, #tpu.memory_space<vmem>>)
      tpu.yield
    }) : () -> ()
    "tpu.region"() ({
      %run_scoped3A = tpu.sem_alloc : memref<!tpu.dma_semaphore, #tpu.memory_space<semaphore_mem>>
      %dma_start3A = arith.constant 0 : i32
      %dma_start3A_9 = arith.constant 0 : i32
      %dma_start3A_10 = tpu.memref_slice %arg4[%add3A, %dma_start3A, %dma_start3A_9] : memref<32x125x80xi32, #tpu.memory_space<hbm>> -> memref<1x125x80xi32, #tpu.memory_space<hbm>>
      %dma_start3A_11 = tpu.memref_squeeze %dma_start3A_10 : memref<1x125x80xi32, #tpu.memory_space<hbm>> -> memref<125x80xi32, #tpu.memory_space<hbm>>
      %dma_start3A_12 = arith.constant 0 : i32
      %dma_start3A_13 = arith.constant 0 : i32
      %dma_start3A_14 = tpu.memref_slice %arg4[%add3A, %dma_start3A_12, %dma_start3A_13] : memref<32x125x80xi32, #tpu.memory_space<hbm>> -> memref<1x125x80xi32, #tpu.memory_space<hbm>>
      %dma_start3A_15 = tpu.memref_squeeze %dma_start3A_14 : memref<1x125x80xi32, #tpu.memory_space<hbm>> -> memref<125x80xi32, #tpu.memory_space<hbm>>
      tpu.enqueue_dma source(%dma_start3A_15 : memref<125x80xi32, #tpu.memory_space<hbm>>) target(%arg7 : memref<125x80xi32, #tpu.memory_space<vmem>>) target_semaphore(%run_scoped3A : memref<!tpu.dma_semaphore, #tpu.memory_space<semaphore_mem>>)
      %dma_wait3A = arith.constant 0 : i32
      %dma_wait3A_16 = arith.constant 0 : i32
      %dma_wait3A_17 = tpu.memref_slice %arg4[%add3A, %dma_wait3A, %dma_wait3A_16] : memref<32x125x80xi32, #tpu.memory_space<hbm>> -> memref<1x125x80xi32, #tpu.memory_space<hbm>>
      %dma_wait3A_18 = tpu.memref_squeeze %dma_wait3A_17 : memref<1x125x80xi32, #tpu.memory_space<hbm>> -> memref<125x80xi32, #tpu.memory_space<hbm>>
      %dma_wait3A_19 = arith.constant 0 : i32
      %dma_wait3A_20 = arith.constant 0 : i32
      %dma_wait3A_21 = tpu.memref_slice %arg4[%add3A, %dma_wait3A_19, %dma_wait3A_20] : memref<32x125x80xi32, #tpu.memory_space<hbm>> -> memref<1x125x80xi32, #tpu.memory_space<hbm>>
      %dma_wait3A_22 = tpu.memref_squeeze %dma_wait3A_21 : memref<1x125x80xi32, #tpu.memory_space<hbm>> -> memref<125x80xi32, #tpu.memory_space<hbm>>
      tpu.wait_dma2 semaphore(%run_scoped3A : memref<!tpu.dma_semaphore, #tpu.memory_space<semaphore_mem>>) src(%dma_wait3A_22 : memref<125x80xi32, #tpu.memory_space<hbm>>) dst(%arg7 : memref<125x80xi32, #tpu.memory_space<vmem>>)
      tpu.yield
    }) : () -> ()
    %barrier3A = arith.constant 0 : index
    tpu.barrier barrier_id(%barrier3A)
    %scan3A = arith.constant 0 : i32
    %scan3A_3 = arith.constant 0 : i32
    %scan3A_4 = arith.constant 125 : i32
    %scan3A_5 = arith.addi %scan3A_3, %scan3A_4 : i32
    %scan3A_6 = arith.constant 1 : i32
    scf.for %scan3A_9 = %scan3A_3 to %scan3A_5 step %scan3A_6  : i32 {
      %dma_start3A = arith.constant 0 : i32
      %dma_start3A_10 = tpu.memref_slice %arg6[%scan3A_9, %dma_start3A] : memref<125x80xi32, #tpu.memory_space<vmem>> -> memref<1x80xi32, #tpu.memory_space<vmem>>
      %dma_start3A_11 = tpu.memref_squeeze %dma_start3A_10 : memref<1x80xi32, #tpu.memory_space<vmem>> -> memref<80xi32, #tpu.memory_space<vmem>>
      %dma_start3A_12 = arith.constant 0 : i32
      %dma_start3A_13 = arith.constant 0 : i32
      %dma_start3A_14 = tpu.memref_slice %arg2[%dma_start3A_12, %dma_start3A_13] : memref<10240x64xf32, #tpu.memory_space<hbm>> -> memref<10240x64xf32, #tpu.memory_space<hbm>>
      tpu.enqueue_indirect_dma source(%dma_start3A_14 : memref<10240x64xf32, #tpu.memory_space<hbm>>) target(%arg8 : memref<80x64xf32, #tpu.memory_space<vmem>>) offsets(%dma_start3A_11 : memref<80xi32, #tpu.memory_space<vmem>>) semaphore(%arg10 : memref<!tpu.dma_semaphore, #tpu.memory_space<semaphore_mem>>)
      %dma_wait3A = arith.constant 0 : i32
      %dma_wait3A_15 = tpu.memref_slice %arg6[%scan3A_9, %dma_wait3A] : memref<125x80xi32, #tpu.memory_space<vmem>> -> memref<1x80xi32, #tpu.memory_space<vmem>>
      %dma_wait3A_16 = tpu.memref_squeeze %dma_wait3A_15 : memref<1x80xi32, #tpu.memory_space<vmem>> -> memref<80xi32, #tpu.memory_space<vmem>>
      %dma_wait3A_17 = arith.constant 0 : i32
      %dma_wait3A_18 = arith.constant 0 : i32
      %dma_wait3A_19 = tpu.memref_slice %arg2[%dma_wait3A_17, %dma_wait3A_18] : memref<10240x64xf32, #tpu.memory_space<hbm>> -> memref<10240x64xf32, #tpu.memory_space<hbm>>
      tpu.wait_indirect_dma semaphore(%arg10 : memref<!tpu.dma_semaphore, #tpu.memory_space<semaphore_mem>>) src(%dma_wait3A_19 : memref<10240x64xf32, #tpu.memory_space<hbm>>) dst(%arg8 : memref<80x64xf32, #tpu.memory_space<vmem>>)
      "tpu.region"() ({
        %run_scoped3A = tpu.sem_alloc : memref<!tpu.dma_semaphore, #tpu.memory_space<semaphore_mem>>
        %dma_start3A_20 = arith.constant 0 : i32
        %dma_start3A_21 = tpu.memref_slice %arg7[%scan3A_9, %dma_start3A_20] : memref<125x80xi32, #tpu.memory_space<vmem>> -> memref<1x80xi32, #tpu.memory_space<vmem>>
        %dma_start3A_22 = tpu.memref_squeeze %dma_start3A_21 : memref<1x80xi32, #tpu.memory_space<vmem>> -> memref<80xi32, #tpu.memory_space<vmem>>
        %dma_start3A_23 = arith.constant 0 : i32
        %dma_start3A_24 = arith.constant 0 : i32
        %dma_start3A_25 = tpu.memref_slice %arg9[%dma_start3A_23, %dma_start3A_24] : memref<10240x64xf32, #tpu.memory_space<vmem_shared>> -> memref<10240x64xf32, #tpu.memory_space<vmem_shared>>
        tpu.enqueue_indirect_dma source(%arg8 : memref<80x64xf32, #tpu.memory_space<vmem>>) target(%dma_start3A_25 : memref<10240x64xf32, #tpu.memory_space<vmem_shared>>) offsets(%dma_start3A_22 : memref<80xi32, #tpu.memory_space<vmem>>) semaphore(%run_scoped3A : memref<!tpu.dma_semaphore, #tpu.memory_space<semaphore_mem>>) {add = true}
        %dma_wait3A_26 = arith.constant 0 : i32
        %dma_wait3A_27 = tpu.memref_slice %arg7[%scan3A_9, %dma_wait3A_26] : memref<125x80xi32, #tpu.memory_space<vmem>> -> memref<1x80xi32, #tpu.memory_space<vmem>>
        %dma_wait3A_28 = tpu.memref_squeeze %dma_wait3A_27 : memref<1x80xi32, #tpu.memory_space<vmem>> -> memref<80xi32, #tpu.memory_space<vmem>>
        %dma_wait3A_29 = arith.constant 0 : i32
        %dma_wait3A_30 = arith.constant 0 : i32
        %dma_wait3A_31 = tpu.memref_slice %arg9[%dma_wait3A_29, %dma_wait3A_30] : memref<10240x64xf32, #tpu.memory_space<vmem_shared>> -> memref<10240x64xf32, #tpu.memory_space<vmem_shared>>
        tpu.wait_indirect_dma semaphore(%run_scoped3A : memref<!tpu.dma_semaphore, #tpu.memory_space<semaphore_mem>>) src(%arg8 : memref<80x64xf32, #tpu.memory_space<vmem>>) dst(%dma_wait3A_31 : memref<10240x64xf32, #tpu.memory_space<vmem_shared>>)
        tpu.yield
      }) : () -> ()
    }
    %scan3A_7 = arith.constant 125 : i32
    %barrier3A_8 = arith.constant 0 : index
    tpu.barrier barrier_id(%barrier3A_8)
    "tpu.region"() ({
      %run_scoped3A = tpu.sem_alloc : memref<!tpu.dma_semaphore, #tpu.memory_space<semaphore_mem>>
      %dma_start3A = arith.constant 0 : i32
      %dma_start3A_9 = arith.constant 0 : i32
      %dma_start3A_10 = tpu.memref_slice %arg5[%arg0, %dma_start3A, %dma_start3A_9] : memref<2x10240x64xf32, #tpu.memory_space<hbm>> -> memref<1x10240x64xf32, #tpu.memory_space<hbm>>
      %dma_start3A_11 = tpu.memref_squeeze %dma_start3A_10 : memref<1x10240x64xf32, #tpu.memory_space<hbm>> -> memref<10240x64xf32, #tpu.memory_space<hbm>>
      %dma_start3A_12 = arith.constant 0 : i32
      %dma_start3A_13 = tpu.memref_slice %dma_start3A_11[%mul3A_2, %dma_start3A_12] : memref<10240x64xf32, #tpu.memory_space<hbm>> -> memref<640x64xf32, #tpu.memory_space<hbm>>
      %dma_start3A_14 = arith.constant 0 : i32
      %dma_start3A_15 = tpu.memref_slice %arg9[%mul3A_2, %dma_start3A_14] : memref<10240x64xf32, #tpu.memory_space<vmem_shared>> -> memref<640x64xf32, #tpu.memory_space<vmem_shared>>
      tpu.enqueue_dma source(%dma_start3A_15 : memref<640x64xf32, #tpu.memory_space<vmem_shared>>) target(%dma_start3A_13 : memref<640x64xf32, #tpu.memory_space<hbm>>) target_semaphore(%run_scoped3A : memref<!tpu.dma_semaphore, #tpu.memory_space<semaphore_mem>>)
      %dma_wait3A = arith.constant 0 : i32
      %dma_wait3A_16 = arith.constant 0 : i32
      %dma_wait3A_17 = tpu.memref_slice %arg5[%arg0, %dma_wait3A, %dma_wait3A_16] : memref<2x10240x64xf32, #tpu.memory_space<hbm>> -> memref<1x10240x64xf32, #tpu.memory_space<hbm>>
      %dma_wait3A_18 = tpu.memref_squeeze %dma_wait3A_17 : memref<1x10240x64xf32, #tpu.memory_space<hbm>> -> memref<10240x64xf32, #tpu.memory_space<hbm>>
      %dma_wait3A_19 = arith.constant 0 : i32
      %dma_wait3A_20 = tpu.memref_slice %dma_wait3A_18[%mul3A_2, %dma_wait3A_19] : memref<10240x64xf32, #tpu.memory_space<hbm>> -> memref<640x64xf32, #tpu.memory_space<hbm>>
      %dma_wait3A_21 = arith.constant 0 : i32
      %dma_wait3A_22 = tpu.memref_slice %arg9[%mul3A_2, %dma_wait3A_21] : memref<10240x64xf32, #tpu.memory_space<vmem_shared>> -> memref<640x64xf32, #tpu.memory_space<vmem_shared>>
      tpu.wait_dma2 semaphore(%run_scoped3A : memref<!tpu.dma_semaphore, #tpu.memory_space<semaphore_mem>>) src(%dma_wait3A_22 : memref<640x64xf32, #tpu.memory_space<vmem_shared>>) dst(%dma_wait3A_20 : memref<640x64xf32, #tpu.memory_space<hbm>>)
      tpu.yield
    }) : () -> ()
    return
  }
}

module attributes {stable_mosaic.version = 14 : i64} {
  func.func @_tc1_body(%arg0: i32, %arg1: memref<1024x128xf32, #tpu.memory_space<vmem>>, %arg2: memref<128x64xf32, #tpu.memory_space<vmem>>, %arg3: memref<2x1024x16xf32, #tpu.memory_space<vmem>>, %arg4: memref<1024x64xf32, #tpu.memory_space<vmem>>) attributes {dimension_semantics = [#tpu.dimension_semantics<arbitrary>], iteration_bounds = array<i64: 10>, scalar_prefetch = 0 : i64, scratch_operands = 0 : i64, tpu.core_type = #tpu.core_type<tc>, window_params = [{transform_indices = @transform_0, window_bounds = array<i64: 1024, 128>}, {pipeline_mode = #tpu.pipeline_mode<synchronous>, transform_indices = @transform_1, window_bounds = array<i64: 128, 64>}, {transform_indices = @transform_2, window_bounds = array<i64: 2, 1024, 16>}, {transform_indices = @transform_3, window_bounds = array<i64: 1024, 64>}]} {
    %get3A = arith.constant 0 : index
    %get3A_0 = arith.constant 0 : index
    %get3A_1 = arith.constant 0 : index
    %get3A_2 = vector.load %arg3[%get3A, %get3A_0, %get3A_1] : memref<2x1024x16xf32, #tpu.memory_space<vmem>>, vector<2x1024x16xf32>
    %slice3A = vector.extract_strided_slice %get3A_2 {offsets = [0, 0, 0], sizes = [1, 1024, 1], strides = [1, 1, 1]} : vector<2x1024x16xf32> to vector<1x1024x1xf32>
    %squeeze3A = vector.shape_cast %slice3A : vector<1x1024x1xf32> to vector<1024x1xf32>
    %slice3A_3 = vector.extract_strided_slice %get3A_2 {offsets = [1, 0, 0], sizes = [1, 1024, 1], strides = [1, 1, 1]} : vector<2x1024x16xf32> to vector<1x1024x1xf32>
    %squeeze3A_4 = vector.shape_cast %slice3A_3 : vector<1x1024x1xf32> to vector<1024x1xf32>
    %add3A = arith.addf %squeeze3A, %squeeze3A_4 : vector<1024x1xf32>
    %sub3A = arith.constant 1.000000e+00 : f32
    %sub3A_5 = vector.broadcast %sub3A : f32 to vector<1024x1xf32>
    %sub3A_6 = arith.subf %add3A, %sub3A_5 : vector<1024x1xf32>
    %rsqrt3A = math.rsqrt %sub3A_6 : vector<1024x1xf32>
    %get3A_7 = arith.constant 0 : index
    %get3A_8 = arith.constant 0 : index
    %get3A_9 = vector.load %arg1[%get3A_7, %get3A_8] : memref<1024x128xf32, #tpu.memory_space<vmem>>, vector<1024x128xf32>
    %get3A_10 = arith.constant 0 : index
    %get3A_11 = arith.constant 0 : index
    %get3A_12 = vector.load %arg2[%get3A_10, %get3A_11] : memref<128x64xf32, #tpu.memory_space<vmem>>, vector<128x64xf32>
    %dot_general3A = arith.constant dense<0.000000e+00> : vector<1024x64xf32>
    %dot_general3A_13 = tpu.matmul %get3A_9, %get3A_12, %dot_general3A {dimension_numbers = #tpu.dot_dimension_numbers<[1], [0], [0], [1], [0, 0, 1, 1], [], []>, transpose_lhs_hint = false} : vector<1024x128xf32>, vector<128x64xf32>, vector<1024x64xf32> -> vector<1024x64xf32>
    %mul3A = vector.broadcast %rsqrt3A : vector<1024x1xf32> to vector<1024x64xf32>
    %mul3A_14 = arith.mulf %dot_general3A_13, %mul3A : vector<1024x64xf32>
    %swap3A = arith.constant 0 : index
    %swap3A_15 = arith.constant 0 : index
    %swap3A_16 = vector.load %arg4[%swap3A, %swap3A_15] : memref<1024x64xf32, #tpu.memory_space<vmem>>, vector<1024x64xf32>
    tpu.vector_store %arg4[%swap3A, %swap3A_15], %mul3A_14 {strides = array<i32>} : memref<1024x64xf32, #tpu.memory_space<vmem>>, vector<1024x64xf32>,
    return
  }
  func.func @transform_0(%arg0: i32) -> (i32, i32) {
    %c0_i32 = arith.constant 0 : i32
    %c0_i32_0 = arith.constant 0 : i32
    return %arg0, %c0_i32 : i32, i32
  }
  func.func @transform_1(%arg0: i32) -> (i32, i32) {
    %c0_i32 = arith.constant 0 : i32
    %c0_i32_0 = arith.constant 0 : i32
    %c0_i32_1 = arith.constant 0 : i32
    return %c0_i32, %c0_i32_0 : i32, i32
  }
  func.func @transform_2(%arg0: i32) -> (i32, i32, i32) {
    %c0_i32 = arith.constant 0 : i32
    %c0_i32_0 = arith.constant 0 : i32
    %c0_i32_1 = arith.constant 0 : i32
    return %c0_i32, %arg0, %c0_i32_0 : i32, i32, i32
  }
  func.func @transform_3(%arg0: i32) -> (i32, i32) {
    %c0_i32 = arith.constant 0 : i32
    %c0_i32_0 = arith.constant 0 : i32
    return %arg0, %c0_i32 : i32, i32
  }
}

module attributes {stable_mosaic.version = 14 : i64} {
  func.func @_tc2_body(%arg0: i32, %arg1: memref<2x1024x64xf32, #tpu.memory_space<vmem>>, %arg2: memref<1024x64xf32, #tpu.memory_space<vmem>>, %arg3: memref<2x1024x16xf32, #tpu.memory_space<vmem>>, %arg4: memref<64x32xf32, #tpu.memory_space<vmem>>, %arg5: memref<1x64xf32, #tpu.memory_space<vmem>>, %arg6: memref<1024x32xf32, #tpu.memory_space<vmem>>) attributes {dimension_semantics = [#tpu.dimension_semantics<arbitrary>], iteration_bounds = array<i64: 10>, scalar_prefetch = 0 : i64, scratch_operands = 0 : i64, tpu.core_type = #tpu.core_type<tc>, window_params = [{transform_indices = @transform_0, window_bounds = array<i64: 2, 1024, 64>}, {transform_indices = @transform_1, window_bounds = array<i64: 1024, 64>}, {transform_indices = @transform_2, window_bounds = array<i64: 2, 1024, 16>}, {pipeline_mode = #tpu.pipeline_mode<synchronous>, transform_indices = @transform_3, window_bounds = array<i64: 64, 32>}, {pipeline_mode = #tpu.pipeline_mode<synchronous>, transform_indices = @transform_4, window_bounds = array<i64: 1, 64>}, {transform_indices = @transform_5, window_bounds = array<i64: 1024, 32>}]} {
    %get3A = arith.constant 0 : index
    %get3A_0 = arith.constant 0 : index
    %get3A_1 = arith.constant 0 : index
    %get3A_2 = vector.load %arg3[%get3A, %get3A_0, %get3A_1] : memref<2x1024x16xf32, #tpu.memory_space<vmem>>, vector<2x1024x16xf32>
    %slice3A = vector.extract_strided_slice %get3A_2 {offsets = [0, 0, 0], sizes = [1, 1024, 1], strides = [1, 1, 1]} : vector<2x1024x16xf32> to vector<1x1024x1xf32>
    %squeeze3A = vector.shape_cast %slice3A : vector<1x1024x1xf32> to vector<1024x1xf32>
    %slice3A_3 = vector.extract_strided_slice %get3A_2 {offsets = [1, 0, 0], sizes = [1, 1024, 1], strides = [1, 1, 1]} : vector<2x1024x16xf32> to vector<1x1024x1xf32>
    %squeeze3A_4 = vector.shape_cast %slice3A_3 : vector<1x1024x1xf32> to vector<1024x1xf32>
    %add3A = arith.addf %squeeze3A, %squeeze3A_4 : vector<1024x1xf32>
    %sub3A = arith.constant 1.000000e+00 : f32
    %sub3A_5 = vector.broadcast %sub3A : f32 to vector<1024x1xf32>
    %sub3A_6 = arith.subf %add3A, %sub3A_5 : vector<1024x1xf32>
    %rsqrt3A = math.rsqrt %sub3A_6 : vector<1024x1xf32>
    %get3A_7 = arith.constant 0 : index
    %get3A_8 = arith.constant 0 : index
    %get3A_9 = arith.constant 0 : index
    %get3A_10 = vector.load %arg1[%get3A_7, %get3A_8, %get3A_9] : memref<2x1024x64xf32, #tpu.memory_space<vmem>>, vector<1x1024x64xf32>
    %get3A_11 = vector.shape_cast %get3A_10 : vector<1x1024x64xf32> to vector<1024x64xf32>
    %get3A_12 = arith.constant 1 : index
    %get3A_13 = arith.constant 0 : index
    %get3A_14 = arith.constant 0 : index
    %get3A_15 = vector.load %arg1[%get3A_12, %get3A_13, %get3A_14] : memref<2x1024x64xf32, #tpu.memory_space<vmem>>, vector<1x1024x64xf32>
    %get3A_16 = vector.shape_cast %get3A_15 : vector<1x1024x64xf32> to vector<1024x64xf32>
    %add3A_17 = arith.addf %get3A_11, %get3A_16 : vector<1024x64xf32>
    %get3A_18 = arith.constant 0 : index
    %get3A_19 = arith.constant 0 : index
    %get3A_20 = vector.load %arg2[%get3A_18, %get3A_19] : memref<1024x64xf32, #tpu.memory_space<vmem>>, vector<1024x64xf32>
    %sub3A_21 = arith.subf %add3A_17, %get3A_20 : vector<1024x64xf32>
    %mul3A = vector.broadcast %rsqrt3A : vector<1024x1xf32> to vector<1024x64xf32>
    %mul3A_22 = arith.mulf %sub3A_21, %mul3A : vector<1024x64xf32>
    %get3A_23 = arith.constant 0 : index
    %get3A_24 = arith.constant 0 : index
    %get3A_25 = vector.load %arg5[%get3A_23, %get3A_24] : memref<1x64xf32, #tpu.memory_space<vmem>>, vector<1x64xf32>
    %add3A_26 = vector.broadcast %get3A_25 : vector<1x64xf32> to vector<1024x64xf32>
    %add3A_27 = arith.addf %mul3A_22, %add3A_26 : vector<1024x64xf32>
    %max3A = arith.constant 0.000000e+00 : f32
    %max3A_28 = vector.broadcast %max3A : f32 to vector<1024x64xf32>
    %max3A_29 = arith.maximumf %add3A_27, %max3A_28 : vector<1024x64xf32>
    %get3A_30 = arith.constant 0 : index
    %get3A_31 = arith.constant 0 : index
    %get3A_32 = vector.load %arg4[%get3A_30, %get3A_31] : memref<64x32xf32, #tpu.memory_space<vmem>>, vector<64x32xf32>
    %dot_general3A = arith.constant dense<0.000000e+00> : vector<1024x32xf32>
    %dot_general3A_33 = tpu.matmul %max3A_29, %get3A_32, %dot_general3A {dimension_numbers = #tpu.dot_dimension_numbers<[1], [0], [0], [1], [0, 0, 1, 1], [], []>, transpose_lhs_hint = false} : vector<1024x64xf32>, vector<64x32xf32>, vector<1024x32xf32> -> vector<1024x32xf32>
    %mul3A_34 = vector.broadcast %rsqrt3A : vector<1024x1xf32> to vector<1024x32xf32>
    %mul3A_35 = arith.mulf %dot_general3A_33, %mul3A_34 : vector<1024x32xf32>
    %swap3A = arith.constant 0 : index
    %swap3A_36 = arith.constant 0 : index
    %swap3A_37 = vector.load %arg6[%swap3A, %swap3A_36] : memref<1024x32xf32, #tpu.memory_space<vmem>>, vector<1024x32xf32>
    tpu.vector_store %arg6[%swap3A, %swap3A_36], %mul3A_35 {strides = array<i32>} : memref<1024x32xf32, #tpu.memory_space<vmem>>, vector<1024x32xf32>,
    return
  }
  func.func @transform_0(%arg0: i32) -> (i32, i32, i32) {
    %c0_i32 = arith.constant 0 : i32
    %c0_i32_0 = arith.constant 0 : i32
    %c0_i32_1 = arith.constant 0 : i32
    return %c0_i32, %arg0, %c0_i32_0 : i32, i32, i32
  }
  func.func @transform_1(%arg0: i32) -> (i32, i32) {
    %c0_i32 = arith.constant 0 : i32
    %c0_i32_0 = arith.constant 0 : i32
    return %arg0, %c0_i32 : i32, i32
  }
  func.func @transform_2(%arg0: i32) -> (i32, i32, i32) {
    %c0_i32 = arith.constant 0 : i32
    %c0_i32_0 = arith.constant 0 : i32
    %c0_i32_1 = arith.constant 0 : i32
    return %c0_i32, %arg0, %c0_i32_0 : i32, i32, i32
  }
  func.func @transform_3(%arg0: i32) -> (i32, i32) {
    %c0_i32 = arith.constant 0 : i32
    %c0_i32_0 = arith.constant 0 : i32
    %c0_i32_1 = arith.constant 0 : i32
    return %c0_i32, %c0_i32_0 : i32, i32
  }
  func.func @transform_4(%arg0: i32) -> (i32, i32) {
    %c0_i32 = arith.constant 0 : i32
    %c0_i32_0 = arith.constant 0 : i32
    %c0_i32_1 = arith.constant 0 : i32
    return %c0_i32, %c0_i32_0 : i32, i32
  }
  func.func @transform_5(%arg0: i32) -> (i32, i32) {
    %c0_i32 = arith.constant 0 : i32
    %c0_i32_0 = arith.constant 0 : i32
    return %arg0, %c0_i32 : i32, i32
  }
}

module attributes {stable_mosaic.version = 14 : i64} {
  func.func @_tc3_body(%arg0: i32, %arg1: memref<2x1024x32xf32, #tpu.memory_space<vmem>>, %arg2: memref<1024x32xf32, #tpu.memory_space<vmem>>, %arg3: memref<2x1024x16xf32, #tpu.memory_space<vmem>>, %arg4: memref<1x32xf32, #tpu.memory_space<vmem>>, %arg5: memref<32x64xf32, #tpu.memory_space<vmem>>, %arg6: memref<1x64xf32, #tpu.memory_space<vmem>>, %arg7: memref<64x8xf32, #tpu.memory_space<vmem>>, %arg8: memref<1x1xf32, #tpu.memory_space<vmem>>, %arg9: memref<1024x32xf32, #tpu.memory_space<vmem>>, %arg10: memref<1024x8xf32, #tpu.memory_space<vmem>>) attributes {dimension_semantics = [#tpu.dimension_semantics<arbitrary>], iteration_bounds = array<i64: 10>, scalar_prefetch = 0 : i64, scratch_operands = 0 : i64, tpu.core_type = #tpu.core_type<tc>, window_params = [{transform_indices = @transform_0, window_bounds = array<i64: 2, 1024, 32>}, {transform_indices = @transform_1, window_bounds = array<i64: 1024, 32>}, {transform_indices = @transform_2, window_bounds = array<i64: 2, 1024, 16>}, {pipeline_mode = #tpu.pipeline_mode<synchronous>, transform_indices = @transform_3, window_bounds = array<i64: 1, 32>}, {pipeline_mode = #tpu.pipeline_mode<synchronous>, transform_indices = @transform_4, window_bounds = array<i64: 32, 64>}, {pipeline_mode = #tpu.pipeline_mode<synchronous>, transform_indices = @transform_5, window_bounds = array<i64: 1, 64>}, {pipeline_mode = #tpu.pipeline_mode<synchronous>, transform_indices = @transform_6, window_bounds = array<i64: 64, 8>}, {pipeline_mode = #tpu.pipeline_mode<synchronous>, transform_indices = @transform_7, window_bounds = array<i64: 1, 1>}, {transform_indices = @transform_8, window_bounds = array<i64: 1024, 32>}, {transform_indices = @transform_9, window_bounds = array<i64: 1024, 8>}]} {
    %get3A = arith.constant 0 : index
    %get3A_0 = arith.constant 0 : index
    %get3A_1 = arith.constant 0 : index
    %get3A_2 = vector.load %arg3[%get3A, %get3A_0, %get3A_1] : memref<2x1024x16xf32, #tpu.memory_space<vmem>>, vector<2x1024x16xf32>
    %slice3A = vector.extract_strided_slice %get3A_2 {offsets = [0, 0, 0], sizes = [1, 1024, 1], strides = [1, 1, 1]} : vector<2x1024x16xf32> to vector<1x1024x1xf32>
    %squeeze3A = vector.shape_cast %slice3A : vector<1x1024x1xf32> to vector<1024x1xf32>
    %slice3A_3 = vector.extract_strided_slice %get3A_2 {offsets = [1, 0, 0], sizes = [1, 1024, 1], strides = [1, 1, 1]} : vector<2x1024x16xf32> to vector<1x1024x1xf32>
    %squeeze3A_4 = vector.shape_cast %slice3A_3 : vector<1x1024x1xf32> to vector<1024x1xf32>
    %add3A = arith.addf %squeeze3A, %squeeze3A_4 : vector<1024x1xf32>
    %sub3A = arith.constant 1.000000e+00 : f32
    %sub3A_5 = vector.broadcast %sub3A : f32 to vector<1024x1xf32>
    %sub3A_6 = arith.subf %add3A, %sub3A_5 : vector<1024x1xf32>
    %rsqrt3A = math.rsqrt %sub3A_6 : vector<1024x1xf32>
    %get3A_7 = arith.constant 0 : index
    %get3A_8 = arith.constant 0 : index
    %get3A_9 = arith.constant 0 : index
    %get3A_10 = vector.load %arg1[%get3A_7, %get3A_8, %get3A_9] : memref<2x1024x32xf32, #tpu.memory_space<vmem>>, vector<1x1024x32xf32>
    %get3A_11 = vector.shape_cast %get3A_10 : vector<1x1024x32xf32> to vector<1024x32xf32>
    %get3A_12 = arith.constant 1 : index
    %get3A_13 = arith.constant 0 : index
    %get3A_14 = arith.constant 0 : index
    %get3A_15 = vector.load %arg1[%get3A_12, %get3A_13, %get3A_14] : memref<2x1024x32xf32, #tpu.memory_space<vmem>>, vector<1x1024x32xf32>
    %get3A_16 = vector.shape_cast %get3A_15 : vector<1x1024x32xf32> to vector<1024x32xf32>
    %add3A_17 = arith.addf %get3A_11, %get3A_16 : vector<1024x32xf32>
    %get3A_18 = arith.constant 0 : index
    %get3A_19 = arith.constant 0 : index
    %get3A_20 = vector.load %arg2[%get3A_18, %get3A_19] : memref<1024x32xf32, #tpu.memory_space<vmem>>, vector<1024x32xf32>
    %sub3A_21 = arith.subf %add3A_17, %get3A_20 : vector<1024x32xf32>
    %mul3A = vector.broadcast %rsqrt3A : vector<1024x1xf32> to vector<1024x32xf32>
    %mul3A_22 = arith.mulf %sub3A_21, %mul3A : vector<1024x32xf32>
    %get3A_23 = arith.constant 0 : index
    %get3A_24 = arith.constant 0 : index
    %get3A_25 = vector.load %arg4[%get3A_23, %get3A_24] : memref<1x32xf32, #tpu.memory_space<vmem>>, vector<1x32xf32>
    %add3A_26 = vector.broadcast %get3A_25 : vector<1x32xf32> to vector<1024x32xf32>
    %add3A_27 = arith.addf %mul3A_22, %add3A_26 : vector<1024x32xf32>
    %swap3A = arith.constant 0 : index
    %swap3A_28 = arith.constant 0 : index
    %swap3A_29 = vector.load %arg9[%swap3A, %swap3A_28] : memref<1024x32xf32, #tpu.memory_space<vmem>>, vector<1024x32xf32>
    tpu.vector_store %arg9[%swap3A, %swap3A_28], %add3A_27 {strides = array<i32>} : memref<1024x32xf32, #tpu.memory_space<vmem>>, vector<1024x32xf32>,
    %get3A_30 = arith.constant 0 : index
    %get3A_31 = arith.constant 0 : index
    %get3A_32 = vector.load %arg5[%get3A_30, %get3A_31] : memref<32x64xf32, #tpu.memory_space<vmem>>, vector<32x64xf32>
    %dot_general3A = arith.constant dense<0.000000e+00> : vector<1024x64xf32>
    %dot_general3A_33 = tpu.matmul %add3A_27, %get3A_32, %dot_general3A {dimension_numbers = #tpu.dot_dimension_numbers<[1], [0], [0], [1], [0, 0, 1, 1], [], []>, transpose_lhs_hint = false} : vector<1024x32xf32>, vector<32x64xf32>, vector<1024x64xf32> -> vector<1024x64xf32>
    %get3A_34 = arith.constant 0 : index
    %get3A_35 = arith.constant 0 : index
    %get3A_36 = vector.load %arg6[%get3A_34, %get3A_35] : memref<1x64xf32, #tpu.memory_space<vmem>>, vector<1x64xf32>
    %add3A_37 = vector.broadcast %get3A_36 : vector<1x64xf32> to vector<1024x64xf32>
    %add3A_38 = arith.addf %dot_general3A_33, %add3A_37 : vector<1024x64xf32>
    %max3A = arith.constant 0.000000e+00 : f32
    %max3A_39 = vector.broadcast %max3A : f32 to vector<1024x64xf32>
    %max3A_40 = arith.maximumf %add3A_38, %max3A_39 : vector<1024x64xf32>
    %get3A_41 = arith.constant 0 : index
    %get3A_42 = arith.constant 0 : index
    %get3A_43 = vector.load %arg7[%get3A_41, %get3A_42] : memref<64x8xf32, #tpu.memory_space<vmem>>, vector<64x8xf32>
    %dot_general3A_44 = arith.constant dense<0.000000e+00> : vector<1024x8xf32>
    %dot_general3A_45 = tpu.matmul %max3A_40, %get3A_43, %dot_general3A_44 {dimension_numbers = #tpu.dot_dimension_numbers<[1], [0], [0], [1], [0, 0, 1, 1], [], []>, transpose_lhs_hint = false} : vector<1024x64xf32>, vector<64x8xf32>, vector<1024x8xf32> -> vector<1024x8xf32>
    %get3A_46 = arith.constant 0 : index
    %get3A_47 = arith.constant 0 : index
    %get3A_48 = vector.load %arg8[%get3A_46, %get3A_47] : memref<1x1xf32, #tpu.memory_space<vmem>>, vector<1x1xf32>
    %add3A_49 = vector.broadcast %get3A_48 : vector<1x1xf32> to vector<1024x8xf32>
    %add3A_50 = arith.addf %dot_general3A_45, %add3A_49 : vector<1024x8xf32>
    %logistic3A = arith.negf %add3A_50 : vector<1024x8xf32>
    %logistic3A_51 = math.exp %logistic3A : vector<1024x8xf32>
    %logistic3A_52 = arith.constant 1.000000e+00 : f32
    %logistic3A_53 = vector.broadcast %logistic3A_52 : f32 to vector<1024x8xf32>
    %logistic3A_54 = arith.addf %logistic3A_53, %logistic3A_51 : vector<1024x8xf32>
    %logistic3A_55 = arith.divf %logistic3A_53, %logistic3A_54 : vector<1024x8xf32>
    %swap3A_56 = arith.constant 0 : index
    %swap3A_57 = arith.constant 0 : index
    %swap3A_58 = vector.load %arg10[%swap3A_56, %swap3A_57] : memref<1024x8xf32, #tpu.memory_space<vmem>>, vector<1024x8xf32>
    tpu.vector_store %arg10[%swap3A_56, %swap3A_57], %logistic3A_55 {strides = array<i32>} : memref<1024x8xf32, #tpu.memory_space<vmem>>, vector<1024x8xf32>,
    return
  }
  func.func @transform_0(%arg0: i32) -> (i32, i32, i32) {
    %c0_i32 = arith.constant 0 : i32
    %c0_i32_0 = arith.constant 0 : i32
    %c0_i32_1 = arith.constant 0 : i32
    return %c0_i32, %arg0, %c0_i32_0 : i32, i32, i32
  }
  func.func @transform_1(%arg0: i32) -> (i32, i32) {
    %c0_i32 = arith.constant 0 : i32
    %c0_i32_0 = arith.constant 0 : i32
    return %arg0, %c0_i32 : i32, i32
  }
  func.func @transform_2(%arg0: i32) -> (i32, i32, i32) {
    %c0_i32 = arith.constant 0 : i32
    %c0_i32_0 = arith.constant 0 : i32
    %c0_i32_1 = arith.constant 0 : i32
    return %c0_i32, %arg0, %c0_i32_0 : i32, i32, i32
  }
  func.func @transform_3(%arg0: i32) -> (i32, i32) {
    %c0_i32 = arith.constant 0 : i32
    %c0_i32_0 = arith.constant 0 : i32
    %c0_i32_1 = arith.constant 0 : i32
    return %c0_i32, %c0_i32_0 : i32, i32
  }
  func.func @transform_4(%arg0: i32) -> (i32, i32) {
    %c0_i32 = arith.constant 0 : i32
    %c0_i32_0 = arith.constant 0 : i32
    %c0_i32_1 = arith.constant 0 : i32
    return %c0_i32, %c0_i32_0 : i32, i32
  }
  func.func @transform_5(%arg0: i32) -> (i32, i32) {
    %c0_i32 = arith.constant 0 : i32
    %c0_i32_0 = arith.constant 0 : i32
    %c0_i32_1 = arith.constant 0 : i32
    return %c0_i32, %c0_i32_0 : i32, i32
  }
  func.func @transform_6(%arg0: i32) -> (i32, i32) {
    %c0_i32 = arith.constant 0 : i32
    %c0_i32_0 = arith.constant 0 : i32
    %c0_i32_1 = arith.constant 0 : i32
    return %c0_i32, %c0_i32_0 : i32, i32
  }
  func.func @transform_7(%arg0: i32) -> (i32, i32) {
    %c0_i32 = arith.constant 0 : i32
    %c0_i32_0 = arith.constant 0 : i32
    %c0_i32_1 = arith.constant 0 : i32
    return %c0_i32, %c0_i32_0 : i32, i32
  }
  func.func @transform_8(%arg0: i32) -> (i32, i32) {
    %c0_i32 = arith.constant 0 : i32
    %c0_i32_0 = arith.constant 0 : i32
    return %arg0, %c0_i32 : i32, i32
  }
  func.func @transform_9(%arg0: i32) -> (i32, i32) {
    %c0_i32 = arith.constant 0 : i32
    %c0_i32_0 = arith.constant 0 : i32
    return %arg0, %c0_i32 : i32, i32
  }
}

</mosaic_0001>

<sc_bundles>
// kernel: kernel.11.cloned.1.call-start
scs
__scs_entry_jumppad:
0x0: {  	(pc) =	sbr.rel $0x88, $3  }
0x1: {  	(tag) =	ssettag $0x0;
	lr =	simm.s32 $0x1  }
0x2: {  	[smem:$0x3F97] =	sst lr;
	_ =	strace $0xD0000000  }
0x3: {  	_ = 	snop  }
0x4: {  	_ = 	snop  }
0x5: {  	_ = 	snop  }
0x6: {  	_ = 	snop  }
0x7: {  	_ = 	snop  }
__scs_overlays_trampoline_lowered:
0x8: {  	[smem:$0x3FA6] =	sst s0  }
0x9: {  	[smem:$0x3FA7] =	sst s1  }
0xa: {  	[smem:$0x3FA8] =	sst s2  }
0xb: {  	[smem:$0x3FA9] =	sst s3  }
0xc: {  	[smem:$0x3FAA] =	sst s4  }
0xd: {  	[smem:$0x3FAB] =	sst s5  }
0xe: {  	[smem:$0x3FAC] =	sst s6  }
0xf: {  	[smem:$0x3FAD] =	sst s7  }
0x10: {  	[smem:$0x3FAE] =	sst s8  }
0x11: {  	[smem:$0x3FAF] =	sst s9;
	s0 =	simm.s32 @!p0 $0x0  }
0x12: {  	s1 =	sld [smem:$0x3F95];
	s0 =	simm.s32 @p0 $0x1  }
0x13: {  	[smem:$0x3FB0] =	sst s0;
	s0 =	simm.s32 @!p1 $0x0  }
0x14: {  	s2 =	sld [smem:$0x3F94];
	s0 =	simm.s32 @p1 $0x1  }
0x15: {  	[smem:$0x3FB1] =	sst s0;
	s0 =	simm.s32 @!p2 $0x0  }
0x16: {  	s3 =	sld [smem:$0x3FDB];
	s0 =	simm.s32 @p2 $0x1  }
0x17: {  	s4 =	simm.s32 $0x1BF5;
	[smem:$0x3FB3] =	sst s0  }
0x18: {  	s0 =	sld [smem:$0x3F96];
	_ =	swait.ge [sflag:s4], $0x0  }
0x19: {  	s7 =	sld [smem:$0x3F97]  }
0x1a: {  	s8 =	sadd.s32 $0xFFFFE003, lr  }
0x1b: {  	s9 =	sadd.s32 $0xFFFFFEF7, lr;
	s5 =	simm.s32 $0xFFFFFFFF;
	p2 =	slt.u32 s8, $0xFFFFF086  }
0x1c: {  	p1 =	slt.u32 s9, $0xF7A;
	s5 =	simm.s32 @!p2 $0x0  }
0x1d: {  	s5 =	simm.s32 @p1 $0x1;
	p0 =	seq.s32 s7, s2  }
0x1e: {  	s7 =	smul.u32 @!p0 $0xF7A, s2;
	p2 =	seq.s32 @!p0 s5, $0x0  }
0x1f: {  	s9 =	smul.u32 $0xF7A, s1;
	s8 =	simm.s32 @!p0 $0x1BF5;
	p2 =	por !p2, p0  }
0x20: {  	[sflag:s8] =	ssyncset.s32 @!p0 $0xFFFFF086;
	s6 =	sadd.s32 @!p0 s3, s7;
	s7 =	simm.s32 @!p0 $0x108  }
0x21: {  	s3 =	sadd.s32 s3, s9;
	s6 =	sadd.s32 @!p0 $0x88, s6;
	s7 =	simm.s32 @p2 $0x1082  }
0x22: {  	[simem:s7], [sflag:s8] =	dma.local @!p0 [hbm:s6], $0xF7A  }
0x23: {  	s9 =	sor.u32 $0xD0000000, s2;
	s6 =	simm.s32 $0x108;
	_ =	swait.ge @!p0 [sflag:s8], $0x0  }
0x24: {  	s3 =	sadd.s32 $0x88, s3;
	s6 =	simm.s32 @!p1 $0x1082;
	[sflag:s4] =	ssyncset.s32 $0xFFFFF086  }
0x25: {  	[simem:s6], [sflag:s4] =	dma.local [hbm:s3], $0xF7A  }
0x26: {  	[smem:$0x3F97] =	sst s1;
	(tag) =	ssettag s2;
	_ =	strace s9  }
0x27: {  	s1 =	sld [smem:$0x3FA7]  }
0x28: {  	s2 =	sld [smem:$0x3FA8]  }
0x29: {  	s4 =	sld [smem:$0x3FAA]  }
0x2a: {  	p0 =	seq.s32 s5, $0x0;
	s5 =	sld [smem:$0x3FAB]  }
0x2b: {  	s6 =	sld [smem:$0x3FAC]  }
0x2c: {  	s7 =	sld [smem:$0x3FAD]  }
0x2d: {  	s3 =	simm.s32 $0x108;
	s8 =	sld [smem:$0x3FAE]  }
0x2e: {  	s3 =	simm.s32 @!p0 $0x1082;
	s9 =	sld [smem:$0x3FAF]  }
0x2f: {  	lr =	sadd.s32 s0, s3;
	s0 =	sld [smem:$0x3FA6]  }
0x30: {  	s3 =	sld [smem:$0x3FA9]  }
0x31: {  	[smem:$0x3FB2] =	sst s10  }
0x32: {  	s10 =	sld [smem:$0x3FB0];
	_ =	sdelay $0x3  }
0x33: {  	p0 =	seq.s32 s10, $0x1;
	s10 =	sld [smem:$0x3FB2];
	_ =	sdelay $0x3  }
0x34: {  	[smem:$0x3FB2] =	sst s10  }
0x35: {  	s10 =	sld [smem:$0x3FB1];
	_ =	sdelay $0x3  }
0x36: {  	p1 =	seq.s32 s10, $0x1;
	s10 =	sld [smem:$0x3FB2];
	_ =	sdelay $0x3  }
0x37: {  	[smem:$0x3FB2] =	sst s10  }
0x38: {  	s10 =	sld [smem:$0x3FB3]  }
0x39: {  	_ = 	snop;
	(pc) =	sbr.ind lr, $3  }
0x3a: {  	_ = 	snop  }
0x3b: {  	_ = 	snop  }
0x3c: {  	p2 =	seq.s32 s10, $0x1;
	s10 =	sld [smem:$0x3FB2]  }
0x3d: {  	_ =	shalt  }
0x3e: {  	_ =	shalt  }
0x3f: {  	_ =	shalt  }
0x40: {  	_ =	shalt  }
0x41: {  	_ =	shalt  }
0x42: {  	_ =	shalt  }
0x43: {  	_ =	shalt  }
0x44: {  	_ =	shalt  }
0x45: {  	_ =	shalt  }
0x46: {  	_ =	shalt  }
0x47: {  	_ =	shalt  }
0x48: {  	_ =	shalt  }
0x49: {  	_ =	shalt  }
0x4a: {  	_ =	shalt  }
0x4b: {  	_ =	shalt  }
0x4c: {  	_ =	shalt  }
0x4d: {  	_ =	shalt  }
0x4e: {  	_ =	shalt  }
0x4f: {  	_ =	shalt  }
0x50: {  	_ =	shalt  }
0x51: {  	_ =	shalt  }
0x52: {  	_ =	shalt  }
0x53: {  	_ =	shalt  }
0x54: {  	_ =	shalt  }
0x55: {  	_ =	shalt  }
0x56: {  	_ =	shalt  }
0x57: {  	_ =	shalt  }
0x58: {  	_ =	shalt  }
0x59: {  	_ =	shalt  }
0x5a: {  	_ =	shalt  }
0x5b: {  	_ =	shalt  }
0x5c: {  	_ =	shalt  }
0x5d: {  	_ =	shalt  }
0x5e: {  	_ =	shalt  }
0x5f: {  	_ =	shalt  }
0x60: {  	_ =	shalt  }
0x61: {  	_ =	shalt  }
0x62: {  	_ =	shalt  }
0x63: {  	_ =	shalt  }
0x64: {  	_ =	shalt  }
0x65: {  	_ =	shalt  }
0x66: {  	_ =	shalt  }
0x67: {  	_ =	shalt  }
0x68: {  	_ =	shalt  }
0x69: {  	_ =	shalt  }
0x6a: {  	_ =	shalt  }
0x6b: {  	_ =	shalt  }
0x6c: {  	_ =	shalt  }
0x6d: {  	_ =	shalt  }
0x6e: {  	_ =	shalt  }
0x6f: {  	_ =	shalt  }
0x70: {  	_ =	shalt  }
0x71: {  	_ =	shalt  }
0x72: {  	_ =	shalt  }
0x73: {  	_ =	shalt  }
0x74: {  	_ =	shalt  }
0x75: {  	_ =	shalt  }
0x76: {  	_ =	shalt  }
0x77: {  	_ =	shalt  }
0x78: {  	_ =	shalt  }
0x79: {  	_ =	shalt  }
0x7a: {  	_ =	shalt  }
0x7b: {  	_ =	shalt  }
0x7c: {  	_ =	shalt  }
0x7d: {  	_ =	shalt  }
0x7e: {  	_ =	shalt  }
0x7f: {  	_ =	shalt  }
0x80: {  	_ =	shalt  }
0x81: {  	_ =	shalt  }
0x82: {  	_ =	shalt  }
0x83: {  	_ =	shalt  }
0x84: {  	_ =	shalt  }
0x85: {  	_ =	shalt  }
0x86: {  	_ =	shalt  }
0x87: {  	_ =	shalt  }
.Lfunc_end0:
.L_simem_size_0:
called_computation.1_lowered:
.L_overlay_start_0:
0x88: {  	s2 =	sld [smem:$0x3FD9]  }
0x89: {  	s3 =	sld [smem:$0x3FFE];
	_ =	sdelay $0x1  }
0x8a: {  	s1 =	srdreg.scid  }
0x8b: {  	s0 =	sand.u32 $0x1, s1  }
0x8c: {  	s14 =	sshll.u32 s0, $0xA;
	s2 =	sadd.s32 s3, s2  }
0x8d: {  	s2 =	sadd.s32 s2, s14  }
0x8e: {  	[smem:$0x3FBE] =	sst s2  }
0x8f: {  	_ = 	snop  }
0x90: {  	s2 =	sld [smem:$0x3FD0];
	_ =	sdelay $0x2  }
0x91: {  	s15 =	simm.s32 $0xA;
	s4 =	simm.s32 $0x10  }
0x92: {  	[smem:s4], [sflag:s15] =	dma.local [hbm:s2], $0x1  }
0x93: {  	_ =	swait.eq [sflag:s15], $0x1  }
0x94: {  	[sflag:s15] =	ssyncset.done $0x0  }
0x95: {  	[sflag:s15] =	ssyncadd.s32 $0xFFFFFFFF  }
0x96: {  	s16 =	sld [smem:$0x10];
	(tm) =	ssettm $0x1  }
0x97: {  	s17 =	sld [smem:$0x3FFB];
	_ =	sdelay $0x3  }
0x98: {  	_ =	strace s17  }
0x99: {  	s3 =	sld [smem:$0x3FFC];
	_ =	sdelay $0x3  }
0x9a: {  	_ =	strace s3  }
0x9b: {  	s3 =	sld [smem:$0x3FFD];
	_ =	sdelay $0x3  }
0x9c: {  	_ =	strace s3  }
0x9d: {  	_ =	strace $0x8FFFFFFF  }
0x9e: {  	s18 =	sld [smem:$0x3FDB];
	_ =	sdelay $0x1  }
0x9f: {  	s19 =	simm.s32 $_scs_section_size  }
0xa0: {  	s5 =	simm.s32 $_size__tile_overlayer_lowered;
	s6 =	simm.s32 $_tile_overlayer_lowered  }
0xa1: {  	s22 =	simm.s32 $0x1BFF;
	s21 =	sshll.u32 s6, $0x1;
	s3 =	sadd.s32 s19, s18  }
0xa2: {  	s7 =	simm.s32 $0x0;
	s20 =	sshll.u32 s5, $0x1;
	s5 =	sadd.s32 s21, s3  }
0xa3: {  	[timem:s7], [sflag:s22] =	dma.local [hbm:s5], s20  }
0xa4: {  	_ =	swait.ge [sflag:s22], s20  }
0xa5: {  	s4 =	ssub.s32 $0x0, s20;
	[sflag:s22] =	ssyncset.done $0x0  }
0xa6: {  	[sflag:s22] =	ssyncadd.s32 s4;
	_ =	sdelay $0x1  }
0xa7: {  	s23 =	simm.s32 $0x1B8B  }
0xa8: {  	_ =	swait.ge [sflag:s23], $0x1  }
0xa9: {  	[sflag:s23] =	ssyncset.done $0x0  }
0xaa: {  	s25 =	simm.s32 $0x1B8E;
	s24 =	sld [smem:$0x3FFE];
	[sflag:s23] =	ssyncadd.s32 $0xFFFFFFFF  }
0xab: {  	s26 =	simm.s32 $execute0_lowered;
	[smem:$0x3FD2] =	sst s25  }
0xac: {  	s5 =	sshll.u32 s26, $0x1;
	_ =	strace $0x80000049;
	[dreg:$0x1] =	wrdreg $0xFFFFFFFF  }
0xad: {  	s28 =	simm.s32 $_size_execute0_lowered;
	s3 =	sadd.s32 s3, s5;
	[dreg:$0x0] =	wrdreg $0x0  }
0xae: {  	s5 =	sshll.u32 s28, $0x1;
	[dreg:$0x2] =	wrdreg s3  }
0xaf: {  	[dreg:$0x3] =	wrdreg s5  }
0xb0: {  	[dreg:$0x4] =	wrdreg $0xC0  }
0xb1: {  	_ =	task [dreg:s7], $0x5FFFF  }
0xb2: {  	[dreg:$0x1] =	wrdreg $0xFFFFFFFF  }
0xb3: {  	[dreg:$0x0] =	wrdreg $0x60  }
0xb4: {  	[dreg:$0x2] =	wrdreg s24  }
0xb5: {  	[dreg:$0x3] =	wrdreg s16  }
0xb6: {  	[dreg:$0x4] =	wrdreg $0x62200  }
0xb7: {  	[dreg:$0x5] =	wrdreg $0x9  }
0xb8: {  	_ =	task.clear_ibuf [dreg:s7], $0x6FFFF;
	_ =	strace $0x90000049  }
0xb9: {  	s29 =	simm.s32 $0x9;
	_ =	strace $0x8000004B  }
0xba: {  	_ =	swait.ge [sflag:s29], $0x1  }
0xbb: {  	[sflag:s29] =	ssyncadd.s32 $0xFFFFFFFF  }
0xbc: {  	_ =	strace $0x9000004B  }
0xbd: {  	_ =	sfence  }
0xbe: {  	s30 =	sld [smem:$0x0];
	_ =	sdelay $0x2  }
0xbf: {  	s31 =	sshll.u32 s1, $0xD;
	s1 =	sshrl.u32 s1, $0x2  }
0xc0: {  	s3 =	sand.u32 $0x4000, s31;
	s1 =	sadd.s32 s1, s30  }
0xc1: {  	s0 =	sor.u32 s3, s0;
	s1 =	sshll.u32 s1, $0x11  }
0xc2: {  	s0 =	sor.u32 s1, s0  }
0xc3: {  	s0 =	sadd.s32 $0x8F2B, s0  }
0xc4: {  	[sflag:s0] =	ssyncadd.remote.s32 $0x1  }
0xc5: {  	_ =	sfence.sel $0xFFFF  }
0xc6: {  	[dreg:$0x0] =	wrdreg $0xFFFFFFFF;
	(pc) =	sbr.abs _section_cstart, $3  }
0xc7: {  	[dreg:$0x1] =	wrdreg $0xFFFFFFFF  }
0xc8: {  	_ =	task.clear_ibuf [dreg:s7], $0x2FFFF;
	_ =	strace $0x9FFFFFFF  }
0xc9: {  	(tm) =	ssettm $0x7FFFFFFF  }
tec
execute0_lowered:
.L_overlay_start_1:
0x0: {  	(tag) =	ssettag $0x1  }
0x1: {  	s5 =	rddreg [dreg:$0x0]  }
0x2: {  	s8 =	rddreg [dreg:$0x1];
	s1 =	srdreg.scid  }
0x3: {  	s0 =	stileid.u32;
	s2 =	rddreg [dreg:$0x2]  }
0x4: {  	s3 =	simm.s32 $0x0;
	s14 =	simm.s32 $0x4E20;
	s15 =	simm.s32 $0x1  }
0x5: {  	s6 =	sand.u32 $0x1, s1;
	s4 =	sshll.u32 s0, $0x1;
	s1 =	rddreg [dreg:$0x3]  }
0x6: {  	[smem:$0x7FF] =	sst s3;
	s10 =	smul.u32 $0xA000, s0;
	s31 =	sshll.u32 s0, $0x6  }
0x7: {  	s4 =	sor.u32 s6, s4;
	_ =	strace $0x8000004A;
	s7 =	smul.u32 $0x14000, s6  }
0x8: {  	s6 =	ssub.s32 $0x2, s6;
	s9 =	smul.u32 $0x4E2, s4;
	s4 =	sadd.s32 $0x84000, s5  }
0x9: {  	s30 =	sshrl.u32 s6, $0x1;
	s16 =	sshrl.u32 s10, $0x3;
	s10 =	sadd.s32 s10, s2  }
0xa: {  	s12 =	sadd.s32 s7, s5;
	s13 =	ssub.s32 s6, s30;
	s6 =	sor.u32 $0x1C02, s31  }
0xb: {  	s10 =	sshrl.u32 s10, $0x3;
	s11 =	sadd.s32 s9, s5;
	s5 =	sadd.s32 s4, s16  }
0xc: {  	s8 =	sadd.s32 s8, s9;
	s17 =	sadd.s32 $0x98000, s12;
	s9 =	smax.u32 s13, $0x1  }
0xd: {  	s12 =	simm.s32 $0x2710;
	s13 =	simm.s32 $0x50;
	s7 =	sadd.s32 $0x2200, s11  }
0xe: {  	s11 =	simm.s32 $0x2;
	s16 =	sadd.s32 s16, s17;
	s17 =	simm.s32 $0x0  }
.LBB2_1:
0xf: {  	[spmem:s10], [sflag:s6] =	dma.local [hbm:s5], $0x1400  }
0x10: {  	_ =	swait.ge [sflag:s11], $0x1400  }
0x11: {  	[sflag:s11] =	ssyncset.done $0x0  }
0x12: {  	[sflag:s11] =	ssyncadd.s32 $0xFFFFEC00  }
0x13: {  	[tilespmem:s3], [sflag:$0x2] =	stream.linear.gather [hbm4b:s7+s3], $0x2710, $0x38;
	[tilespmem:$0x10220] =	vst v63  }
0x14: {  	_ =	swait.ge [sflag:s11], $0x2710  }
0x15: {  	[sflag:s11] =	ssyncset.done $0x0  }
0x16: {  	[sflag:s11] =	ssyncadd.s32 $0xFFFFD8F0  }
0x17: {  	[tilespmem:s12], [sflag:$0x2] =	stream.linear.gather [hbm4b:s8+s3], $0x2710, $0x38;
	[tilespmem:$0x10220] =	vst v63  }
0x18: {  	_ =	swait.ge [sflag:s11], $0x2710  }
0x19: {  	[sflag:s11] =	ssyncset.done $0x0  }
0x1a: {  	[sflag:s11] =	ssyncadd.s32 $0xFFFFD8F0  }
0x1b: {  	s18 =	simm.s32 $0x0;
	[bflag:$0x0] =	sbarrier.arrive $0xFFFF  }
0x1c: {  	[tilespmem:s14], [sflag:$0x1] =	stream.indirect.gather [hbm4b:s4+s13], $0x40, s18, s13, $0xb8;
	[tilespmem:$0x10220] =	vst v63  }
0x1d: {  	_ =	swait.ge [sflag:s15], $0x1400  }
0x1e: {  	[sflag:s15] =	ssyncset.done $0x0  }
0x1f: {  	s31 =	simm.s32 $0x2710;
	[sflag:s15] =	ssyncadd.s32 $0xFFFFEC00  }
0x20: {  	[spmem:s2] =	stream.indirect.scatter.add.f32 [tilespmem:s14], [sflag:$0x2], $0x40, s31, s13, $0xb8;
	[tilespmem:$0x10220] =	vst v63  }
0x21: {  	_ =	swait.ge [sflag:s11], $0x1400  }
0x22: {  	s19 =	simm.s32 $0x280;
	s18 =	simm.s32 $0x140;
	[sflag:s11] =	ssyncset.done $0x0  }
.LBB2_2:
0x23: {  	s20 =	sshra.s32 s18, $0x2  }
0x24: {  	[sflag:s11] =	ssyncadd.s32 $0xFFFFEC00;
	s18 =	smov.u32 s19;
	s21 =	sadd.s32 $0x140, s19  }
0x25: {  	[tilespmem:s14], [sflag:$0x1] =	stream.indirect.gather [hbm4b:s4+s13], $0x40, s20, s13, $0xb8;
	[tilespmem:$0x10220] =	vst v63  }
0x26: {  	p0 =	sne.s32 s19, $0x9B00;
	_ =	swait.ge [sflag:s15], $0x1400  }
.Ltmp0:
0x27: {  	[sflag:s15] =	ssyncset.done $0x0;
	(pc) =	sbr.rel @p0 .LBB2_2-.Ltmp0, $4  }
0x28: {  	s19 =	sadd.s32 $0x2710, s20;
	[sflag:s15] =	ssyncadd.s32 $0xFFFFEC00  }
0x29: {  	[spmem:s2] =	stream.indirect.scatter.add.f32 [tilespmem:s14], [sflag:$0x2], $0x40, s19, s13, $0xb8;
	[tilespmem:$0x10220] =	vst v63  }
0x2a: {  	_ =	swait.ge [sflag:s11], $0x1400  }
0x2b: {  	s19 =	smov.u32 s21;
	[sflag:s11] =	ssyncset.done $0x0  }
0x2c: {  	s18 =	sshra.s32 s18, $0x2;
	[sflag:s11] =	ssyncadd.s32 $0xFFFFEC00  }
0x2d: {  	[tilespmem:s14], [sflag:$0x1] =	stream.indirect.gather [hbm4b:s4+s13], $0x40, s18, s13, $0xb8;
	[tilespmem:$0x10220] =	vst v63  }
0x2e: {  	_ =	swait.ge [sflag:s15], $0x1400  }
0x2f: {  	[sflag:s15] =	ssyncset.done $0x0  }
0x30: {  	s18 =	sadd.s32 $0x2710, s18;
	[sflag:s15] =	ssyncadd.s32 $0xFFFFEC00  }
0x31: {  	[spmem:s2] =	stream.indirect.scatter.add.f32 [tilespmem:s14], [sflag:$0x2], $0x40, s18, s13, $0xb8;
	[tilespmem:$0x10220] =	vst v63  }
0x32: {  	_ =	swait.ge [sflag:s11], $0x1400  }
0x33: {  	s17 =	sadd.s32 $0x1, s17;
	[sflag:s11] =	ssyncset.done $0x0  }
0x34: {  	p0 =	sne.s32 s17, s9;
	[sflag:s11] =	ssyncadd.s32 $0xFFFFEC00  }
.Ltmp1:
0x35: {  	[bflag:$0x0] =	sbarrier.arrive $0xFFFF;
	(pc) =	sbr.rel @p0 .LBB2_1-.Ltmp1, $4  }
0x36: {  	[hbm:s16], [sflag:s6] =	dma.local [spmem:s10], $0x1400  }
0x37: {  	_ =	swait.ge [sflag:s11], $0x1400  }
0x38: {  	[sflag:s11] =	ssyncset.done $0x0  }
0x39: {  	[sflag:s11] =	ssyncadd.s32 $0xFFFFEC00  }
0x3a: {  	_ =	sfence.sel $0x180000  }
0x3b: {  	[bflag:$0x0] =	sbarrier.arrive $0xFFFF  }
0x3c: {  	p0 =	sne.s32 s0, $0x0;
	_ =	strace $0x9000004A  }
0x3d: {  	s0 =	sadd.s32 @!p0 $0x100000, s1;
	[bflag:$0x2] =	sbarrier.arrive $0xFFFF  }
0x3e: {  	[sflag:s0] =	ssyncadd.tile.s32 @!p0 $0x1;
	_ =	shalt  }
.Lfunc_end2:
_tile_overlayer_lowered:
.L_overlay_start_2:
0x3f: {  	(tag) =	ssettag $0x2  }
0x40: {  	s0 =	rddreg [dreg:$0x0];
	s2 =	stileid.u32  }
0x41: {  	s1 =	rddreg [dreg:$0x1];
	p0 =	sne.s32 s2, $0x0  }
0x42: {  	s3 =	rddreg [dreg:$0x2];
	[bflag:$0x3] =	sbarrier.arrive $0xFFFF;
	s2 =	simm.s32 @!p0 $0x1C02  }
0x43: {  	[timem:s3], [sflag:s2] =	dma.local @!p0 [hbm:s0], s1  }
0x44: {  	s0 =	simm.s32 @!p0 $0x2  }
0x45: {  	_ =	swait.ge @!p0 [sflag:s0], s1  }
0x46: {  	s1 =	ssub.s32 @!p0 $0x0, s1;
	[sflag:s0] =	ssyncset.done @!p0 $0x0  }
0x47: {  	[sflag:s0] =	ssyncadd.s32 @!p0 s1  }
0x48: {  	[bflag:$0x3] =	sbarrier.arrive $0xFFFF  }
0x49: {  	_ =	shalt  }

// kernel: kernel.14.cloned.1.call-start
scs
__scs_entry_jumppad:
0x0: {  	(pc) =	sbr.rel $0x88, $3  }
0x1: {  	(tag) =	ssettag $0x0;
	lr =	simm.s32 $0x1  }
0x2: {  	[smem:$0x3F97] =	sst lr;
	_ =	strace $0xD0000000  }
0x3: {  	_ = 	snop  }
0x4: {  	_ = 	snop  }
0x5: {  	_ = 	snop  }
0x6: {  	_ = 	snop  }
0x7: {  	_ = 	snop  }
__scs_overlays_trampoline_lowered:
0x8: {  	[smem:$0x3FA6] =	sst s0  }
0x9: {  	[smem:$0x3FA7] =	sst s1  }
0xa: {  	[smem:$0x3FA8] =	sst s2  }
0xb: {  	[smem:$0x3FA9] =	sst s3  }
0xc: {  	[smem:$0x3FAA] =	sst s4  }
0xd: {  	[smem:$0x3FAB] =	sst s5  }
0xe: {  	[smem:$0x3FAC] =	sst s6  }
0xf: {  	[smem:$0x3FAD] =	sst s7  }
0x10: {  	[smem:$0x3FAE] =	sst s8  }
0x11: {  	[smem:$0x3FAF] =	sst s9;
	s0 =	simm.s32 @!p0 $0x0  }
0x12: {  	s1 =	sld [smem:$0x3F95];
	s0 =	simm.s32 @p0 $0x1  }
0x13: {  	[smem:$0x3FB0] =	sst s0;
	s0 =	simm.s32 @!p1 $0x0  }
0x14: {  	s2 =	sld [smem:$0x3F94];
	s0 =	simm.s32 @p1 $0x1  }
0x15: {  	[smem:$0x3FB1] =	sst s0;
	s0 =	simm.s32 @!p2 $0x0  }
0x16: {  	s3 =	sld [smem:$0x3FDB];
	s0 =	simm.s32 @p2 $0x1  }
0x17: {  	s4 =	simm.s32 $0x1BF5;
	[smem:$0x3FB3] =	sst s0  }
0x18: {  	s0 =	sld [smem:$0x3F96];
	_ =	swait.ge [sflag:s4], $0x0  }
0x19: {  	s7 =	sld [smem:$0x3F97]  }
0x1a: {  	s8 =	sadd.s32 $0xFFFFE003, lr  }
0x1b: {  	s9 =	sadd.s32 $0xFFFFFEF7, lr;
	s5 =	simm.s32 $0xFFFFFFFF;
	p2 =	slt.u32 s8, $0xFFFFF086  }
0x1c: {  	p1 =	slt.u32 s9, $0xF7A;
	s5 =	simm.s32 @!p2 $0x0  }
0x1d: {  	s5 =	simm.s32 @p1 $0x1;
	p0 =	seq.s32 s7, s2  }
0x1e: {  	s7 =	smul.u32 @!p0 $0xF7A, s2;
	p2 =	seq.s32 @!p0 s5, $0x0  }
0x1f: {  	s9 =	smul.u32 $0xF7A, s1;
	s8 =	simm.s32 @!p0 $0x1BF5;
	p2 =	por !p2, p0  }
0x20: {  	[sflag:s8] =	ssyncset.s32 @!p0 $0xFFFFF086;
	s6 =	sadd.s32 @!p0 s3, s7;
	s7 =	simm.s32 @!p0 $0x108  }
0x21: {  	s3 =	sadd.s32 s3, s9;
	s6 =	sadd.s32 @!p0 $0x88, s6;
	s7 =	simm.s32 @p2 $0x1082  }
0x22: {  	[simem:s7], [sflag:s8] =	dma.local @!p0 [hbm:s6], $0xF7A  }
0x23: {  	s9 =	sor.u32 $0xD0000000, s2;
	s6 =	simm.s32 $0x108;
	_ =	swait.ge @!p0 [sflag:s8], $0x0  }
0x24: {  	s3 =	sadd.s32 $0x88, s3;
	s6 =	simm.s32 @!p1 $0x1082;
	[sflag:s4] =	ssyncset.s32 $0xFFFFF086  }
0x25: {  	[simem:s6], [sflag:s4] =	dma.local [hbm:s3], $0xF7A  }
0x26: {  	[smem:$0x3F97] =	sst s1;
	(tag) =	ssettag s2;
	_ =	strace s9  }
0x27: {  	s1 =	sld [smem:$0x3FA7]  }
0x28: {  	s2 =	sld [smem:$0x3FA8]  }
0x29: {  	s4 =	sld [smem:$0x3FAA]  }
0x2a: {  	p0 =	seq.s32 s5, $0x0;
	s5 =	sld [smem:$0x3FAB]  }
0x2b: {  	s6 =	sld [smem:$0x3FAC]  }
0x2c: {  	s7 =	sld [smem:$0x3FAD]  }
0x2d: {  	s3 =	simm.s32 $0x108;
	s8 =	sld [smem:$0x3FAE]  }
0x2e: {  	s3 =	simm.s32 @!p0 $0x1082;
	s9 =	sld [smem:$0x3FAF]  }
0x2f: {  	lr =	sadd.s32 s0, s3;
	s0 =	sld [smem:$0x3FA6]  }
0x30: {  	s3 =	sld [smem:$0x3FA9]  }
0x31: {  	[smem:$0x3FB2] =	sst s10  }
0x32: {  	s10 =	sld [smem:$0x3FB0];
	_ =	sdelay $0x3  }
0x33: {  	p0 =	seq.s32 s10, $0x1;
	s10 =	sld [smem:$0x3FB2];
	_ =	sdelay $0x3  }
0x34: {  	[smem:$0x3FB2] =	sst s10  }
0x35: {  	s10 =	sld [smem:$0x3FB1];
	_ =	sdelay $0x3  }
0x36: {  	p1 =	seq.s32 s10, $0x1;
	s10 =	sld [smem:$0x3FB2];
	_ =	sdelay $0x3  }
0x37: {  	[smem:$0x3FB2] =	sst s10  }
0x38: {  	s10 =	sld [smem:$0x3FB3]  }
0x39: {  	_ = 	snop;
	(pc) =	sbr.ind lr, $3  }
0x3a: {  	_ = 	snop  }
0x3b: {  	_ = 	snop  }
0x3c: {  	p2 =	seq.s32 s10, $0x1;
	s10 =	sld [smem:$0x3FB2]  }
0x3d: {  	_ =	shalt  }
0x3e: {  	_ =	shalt  }
0x3f: {  	_ =	shalt  }
0x40: {  	_ =	shalt  }
0x41: {  	_ =	shalt  }
0x42: {  	_ =	shalt  }
0x43: {  	_ =	shalt  }
0x44: {  	_ =	shalt  }
0x45: {  	_ =	shalt  }
0x46: {  	_ =	shalt  }
0x47: {  	_ =	shalt  }
0x48: {  	_ =	shalt  }
0x49: {  	_ =	shalt  }
0x4a: {  	_ =	shalt  }
0x4b: {  	_ =	shalt  }
0x4c: {  	_ =	shalt  }
0x4d: {  	_ =	shalt  }
0x4e: {  	_ =	shalt  }
0x4f: {  	_ =	shalt  }
0x50: {  	_ =	shalt  }
0x51: {  	_ =	shalt  }
0x52: {  	_ =	shalt  }
0x53: {  	_ =	shalt  }
0x54: {  	_ =	shalt  }
0x55: {  	_ =	shalt  }
0x56: {  	_ =	shalt  }
0x57: {  	_ =	shalt  }
0x58: {  	_ =	shalt  }
0x59: {  	_ =	shalt  }
0x5a: {  	_ =	shalt  }
0x5b: {  	_ =	shalt  }
0x5c: {  	_ =	shalt  }
0x5d: {  	_ =	shalt  }
0x5e: {  	_ =	shalt  }
0x5f: {  	_ =	shalt  }
0x60: {  	_ =	shalt  }
0x61: {  	_ =	shalt  }
0x62: {  	_ =	shalt  }
0x63: {  	_ =	shalt  }
0x64: {  	_ =	shalt  }
0x65: {  	_ =	shalt  }
0x66: {  	_ =	shalt  }
0x67: {  	_ =	shalt  }
0x68: {  	_ =	shalt  }
0x69: {  	_ =	shalt  }
0x6a: {  	_ =	shalt  }
0x6b: {  	_ =	shalt  }
0x6c: {  	_ =	shalt  }
0x6d: {  	_ =	shalt  }
0x6e: {  	_ =	shalt  }
0x6f: {  	_ =	shalt  }
0x70: {  	_ =	shalt  }
0x71: {  	_ =	shalt  }
0x72: {  	_ =	shalt  }
0x73: {  	_ =	shalt  }
0x74: {  	_ =	shalt  }
0x75: {  	_ =	shalt  }
0x76: {  	_ =	shalt  }
0x77: {  	_ =	shalt  }
0x78: {  	_ =	shalt  }
0x79: {  	_ =	shalt  }
0x7a: {  	_ =	shalt  }
0x7b: {  	_ =	shalt  }
0x7c: {  	_ =	shalt  }
0x7d: {  	_ =	shalt  }
0x7e: {  	_ =	shalt  }
0x7f: {  	_ =	shalt  }
0x80: {  	_ =	shalt  }
0x81: {  	_ =	shalt  }
0x82: {  	_ =	shalt  }
0x83: {  	_ =	shalt  }
0x84: {  	_ =	shalt  }
0x85: {  	_ =	shalt  }
0x86: {  	_ =	shalt  }
0x87: {  	_ =	shalt  }
.Lfunc_end0:
.L_simem_size_0:
called_computation.2_lowered:
.L_overlay_start_0:
0x88: {  	s2 =	sld [smem:$0x3FD9]  }
0x89: {  	s3 =	sld [smem:$0x3FFE];
	_ =	sdelay $0x1  }
0x8a: {  	s1 =	srdreg.scid  }
0x8b: {  	s0 =	sand.u32 $0x1, s1  }
0x8c: {  	s14 =	sshll.u32 s0, $0xA;
	s2 =	sadd.s32 s3, s2  }
0x8d: {  	s2 =	sadd.s32 s2, s14  }
0x8e: {  	[smem:$0x3FBE] =	sst s2  }
0x8f: {  	_ = 	snop  }
0x90: {  	s2 =	sld [smem:$0x3FD0];
	_ =	sdelay $0x2  }
0x91: {  	s15 =	simm.s32 $0xA;
	s4 =	simm.s32 $0x10  }
0x92: {  	[smem:s4], [sflag:s15] =	dma.local [hbm:s2], $0x1  }
0x93: {  	_ =	swait.eq [sflag:s15], $0x1  }
0x94: {  	[sflag:s15] =	ssyncset.done $0x0  }
0x95: {  	[sflag:s15] =	ssyncadd.s32 $0xFFFFFFFF  }
0x96: {  	s16 =	sld [smem:$0x10];
	(tm) =	ssettm $0x1  }
0x97: {  	s17 =	sld [smem:$0x3FFB];
	_ =	sdelay $0x3  }
0x98: {  	_ =	strace s17  }
0x99: {  	s3 =	sld [smem:$0x3FFC];
	_ =	sdelay $0x3  }
0x9a: {  	_ =	strace s3  }
0x9b: {  	s3 =	sld [smem:$0x3FFD];
	_ =	sdelay $0x3  }
0x9c: {  	_ =	strace s3  }
0x9d: {  	_ =	strace $0x8FFFFFFF  }
0x9e: {  	s18 =	sld [smem:$0x3FDB];
	_ =	sdelay $0x1  }
0x9f: {  	s19 =	simm.s32 $_scs_section_size  }
0xa0: {  	s5 =	simm.s32 $_size__tile_overlayer_lowered;
	s6 =	simm.s32 $_tile_overlayer_lowered  }
0xa1: {  	s22 =	simm.s32 $0x1BFF;
	s21 =	sshll.u32 s6, $0x1;
	s3 =	sadd.s32 s19, s18  }
0xa2: {  	s7 =	simm.s32 $0x0;
	s20 =	sshll.u32 s5, $0x1;
	s5 =	sadd.s32 s21, s3  }
0xa3: {  	[timem:s7], [sflag:s22] =	dma.local [hbm:s5], s20  }
0xa4: {  	_ =	swait.ge [sflag:s22], s20  }
0xa5: {  	s4 =	ssub.s32 $0x0, s20;
	[sflag:s22] =	ssyncset.done $0x0  }
0xa6: {  	[sflag:s22] =	ssyncadd.s32 s4;
	_ =	sdelay $0x1  }
0xa7: {  	s23 =	simm.s32 $0x1B8B  }
0xa8: {  	_ =	swait.ge [sflag:s23], $0x1  }
0xa9: {  	[sflag:s23] =	ssyncset.done $0x0  }
0xaa: {  	s25 =	simm.s32 $0x1B8E;
	s24 =	sld [smem:$0x3FFE];
	[sflag:s23] =	ssyncadd.s32 $0xFFFFFFFF  }
0xab: {  	s26 =	simm.s32 $execute0_lowered;
	[smem:$0x3FD2] =	sst s25  }
0xac: {  	s5 =	sshll.u32 s26, $0x1;
	_ =	strace $0x8000004C;
	[dreg:$0x1] =	wrdreg $0xFFFFFFFF  }
0xad: {  	s28 =	simm.s32 $_size_execute0_lowered;
	s3 =	sadd.s32 s3, s5;
	[dreg:$0x0] =	wrdreg $0x0  }
0xae: {  	s5 =	sshll.u32 s28, $0x1;
	[dreg:$0x2] =	wrdreg s3  }
0xaf: {  	[dreg:$0x3] =	wrdreg s5  }
0xb0: {  	[dreg:$0x4] =	wrdreg $0xC0  }
0xb1: {  	_ =	task [dreg:s7], $0x5FFFF  }
0xb2: {  	[dreg:$0x1] =	wrdreg $0xFFFFFFFF  }
0xb3: {  	[dreg:$0x0] =	wrdreg $0x60  }
0xb4: {  	[dreg:$0x2] =	wrdreg s24  }
0xb5: {  	[dreg:$0x3] =	wrdreg s16  }
0xb6: {  	[dreg:$0x4] =	wrdreg $0x58200  }
0xb7: {  	[dreg:$0x5] =	wrdreg $0x9  }
0xb8: {  	_ =	task.clear_ibuf [dreg:s7], $0x6FFFF;
	_ =	strace $0x9000004C  }
0xb9: {  	s29 =	simm.s32 $0x9;
	_ =	strace $0x8000004E  }
0xba: {  	_ =	swait.ge [sflag:s29], $0x1  }
0xbb: {  	[sflag:s29] =	ssyncadd.s32 $0xFFFFFFFF  }
0xbc: {  	_ =	strace $0x9000004E  }
0xbd: {  	_ =	sfence  }
0xbe: {  	s30 =	sld [smem:$0x0];
	_ =	sdelay $0x2  }
0xbf: {  	s31 =	sshll.u32 s1, $0xD;
	s1 =	sshrl.u32 s1, $0x2  }
0xc0: {  	s3 =	sand.u32 $0x4000, s31;
	s1 =	sadd.s32 s1, s30  }
0xc1: {  	s0 =	sor.u32 s3, s0;
	s1 =	sshll.u32 s1, $0x11  }
0xc2: {  	s0 =	sor.u32 s1, s0  }
0xc3: {  	s0 =	sadd.s32 $0x8F2B, s0  }
0xc4: {  	[sflag:s0] =	ssyncadd.remote.s32 $0x1  }
0xc5: {  	_ =	sfence.sel $0xFFFF  }
0xc6: {  	[dreg:$0x0] =	wrdreg $0xFFFFFFFF;
	(pc) =	sbr.abs _section_cstart, $3  }
0xc7: {  	[dreg:$0x1] =	wrdreg $0xFFFFFFFF  }
0xc8: {  	_ =	task.clear_ibuf [dreg:s7], $0x2FFFF;
	_ =	strace $0x9FFFFFFF  }
0xc9: {  	(tm) =	ssettm $0x7FFFFFFF  }
tec
execute0_lowered:
.L_overlay_start_1:
0x0: {  	(tag) =	ssettag $0x1  }
0x1: {  	s5 =	rddreg [dreg:$0x0]  }
0x2: {  	s8 =	rddreg [dreg:$0x1];
	s1 =	srdreg.scid  }
0x3: {  	s0 =	stileid.u32;
	s2 =	rddreg [dreg:$0x2]  }
0x4: {  	s3 =	simm.s32 $0x0;
	s14 =	simm.s32 $0x4E20;
	s15 =	simm.s32 $0x1  }
0x5: {  	s6 =	sand.u32 $0x1, s1;
	s4 =	sshll.u32 s0, $0x1;
	s1 =	rddreg [dreg:$0x3]  }
0x6: {  	[smem:$0x7FF] =	sst s3;
	s10 =	smul.u32 $0x5000, s0;
	s31 =	sshll.u32 s0, $0x6  }
0x7: {  	s4 =	sor.u32 s6, s4;
	_ =	strace $0x8000004D;
	s7 =	smul.u32 $0xA000, s6  }
0x8: {  	s6 =	ssub.s32 $0x2, s6;
	s9 =	smul.u32 $0x4E2, s4;
	s4 =	sadd.s32 $0x5C000, s5  }
0x9: {  	s30 =	sshrl.u32 s6, $0x1;
	s16 =	sshrl.u32 s10, $0x3;
	s10 =	sadd.s32 s10, s2  }
0xa: {  	s12 =	sadd.s32 s7, s5;
	s13 =	ssub.s32 s6, s30;
	s6 =	sor.u32 $0x1C02, s31  }
0xb: {  	s10 =	sshrl.u32 s10, $0x3;
	s11 =	sadd.s32 s9, s5;
	s5 =	sadd.s32 s4, s16  }
0xc: {  	s8 =	sadd.s32 s8, s9;
	s17 =	sadd.s32 $0x66000, s12;
	s9 =	smax.u32 s13, $0x1  }
0xd: {  	s12 =	simm.s32 $0x2710;
	s13 =	simm.s32 $0x50;
	s7 =	sadd.s32 $0x2200, s11  }
0xe: {  	s11 =	simm.s32 $0x2;
	s16 =	sadd.s32 s16, s17;
	s17 =	simm.s32 $0x0  }
.LBB2_1:
0xf: {  	[spmem:s10], [sflag:s6] =	dma.local [hbm:s5], $0xA00  }
0x10: {  	_ =	swait.ge [sflag:s11], $0xA00  }
0x11: {  	[sflag:s11] =	ssyncset.done $0x0  }
0x12: {  	[sflag:s11] =	ssyncadd.s32 $0xFFFFF600  }
0x13: {  	[tilespmem:s3], [sflag:$0x2] =	stream.linear.gather [hbm4b:s7+s3], $0x2710, $0x38;
	[tilespmem:$0xA820] =	vst v63  }
0x14: {  	_ =	swait.ge [sflag:s11], $0x2710  }
0x15: {  	[sflag:s11] =	ssyncset.done $0x0  }
0x16: {  	[sflag:s11] =	ssyncadd.s32 $0xFFFFD8F0  }
0x17: {  	[tilespmem:s12], [sflag:$0x2] =	stream.linear.gather [hbm4b:s8+s3], $0x2710, $0x38;
	[tilespmem:$0xA820] =	vst v63  }
0x18: {  	_ =	swait.ge [sflag:s11], $0x2710  }
0x19: {  	[sflag:s11] =	ssyncset.done $0x0  }
0x1a: {  	[sflag:s11] =	ssyncadd.s32 $0xFFFFD8F0  }
0x1b: {  	s18 =	simm.s32 $0x0;
	[bflag:$0x0] =	sbarrier.arrive $0xFFFF  }
0x1c: {  	[tilespmem:s14], [sflag:$0x1] =	stream.indirect.gather [hbm4b:s4+s13], $0x20, s18, s13, $0xb8;
	[tilespmem:$0xA820] =	vst v63  }
0x1d: {  	_ =	swait.ge [sflag:s15], $0xA00  }
0x1e: {  	[sflag:s15] =	ssyncset.done $0x0  }
0x1f: {  	s31 =	simm.s32 $0x2710;
	[sflag:s15] =	ssyncadd.s32 $0xFFFFF600  }
0x20: {  	[spmem:s2] =	stream.indirect.scatter.add.f32 [tilespmem:s14], [sflag:$0x2], $0x20, s31, s13, $0xb8;
	[tilespmem:$0xA820] =	vst v63  }
0x21: {  	_ =	swait.ge [sflag:s11], $0xA00  }
0x22: {  	s19 =	simm.s32 $0x280;
	s18 =	simm.s32 $0x140;
	[sflag:s11] =	ssyncset.done $0x0  }
.LBB2_2:
0x23: {  	s20 =	sshra.s32 s18, $0x2  }
0x24: {  	[sflag:s11] =	ssyncadd.s32 $0xFFFFF600;
	s18 =	smov.u32 s19;
	s21 =	sadd.s32 $0x140, s19  }
0x25: {  	[tilespmem:s14], [sflag:$0x1] =	stream.indirect.gather [hbm4b:s4+s13], $0x20, s20, s13, $0xb8;
	[tilespmem:$0xA820] =	vst v63  }
0x26: {  	p0 =	sne.s32 s19, $0x9B00;
	_ =	swait.ge [sflag:s15], $0xA00  }
.Ltmp0:
0x27: {  	[sflag:s15] =	ssyncset.done $0x0;
	(pc) =	sbr.rel @p0 .LBB2_2-.Ltmp0, $4  }
0x28: {  	s19 =	sadd.s32 $0x2710, s20;
	[sflag:s15] =	ssyncadd.s32 $0xFFFFF600  }
0x29: {  	[spmem:s2] =	stream.indirect.scatter.add.f32 [tilespmem:s14], [sflag:$0x2], $0x20, s19, s13, $0xb8;
	[tilespmem:$0xA820] =	vst v63  }
0x2a: {  	_ =	swait.ge [sflag:s11], $0xA00  }
0x2b: {  	s19 =	smov.u32 s21;
	[sflag:s11] =	ssyncset.done $0x0  }
0x2c: {  	s18 =	sshra.s32 s18, $0x2;
	[sflag:s11] =	ssyncadd.s32 $0xFFFFF600  }
0x2d: {  	[tilespmem:s14], [sflag:$0x1] =	stream.indirect.gather [hbm4b:s4+s13], $0x20, s18, s13, $0xb8;
	[tilespmem:$0xA820] =	vst v63  }
0x2e: {  	_ =	swait.ge [sflag:s15], $0xA00  }
0x2f: {  	[sflag:s15] =	ssyncset.done $0x0  }
0x30: {  	s18 =	sadd.s32 $0x2710, s18;
	[sflag:s15] =	ssyncadd.s32 $0xFFFFF600  }
0x31: {  	[spmem:s2] =	stream.indirect.scatter.add.f32 [tilespmem:s14], [sflag:$0x2], $0x20, s18, s13, $0xb8;
	[tilespmem:$0xA820] =	vst v63  }
0x32: {  	_ =	swait.ge [sflag:s11], $0xA00  }
0x33: {  	s17 =	sadd.s32 $0x1, s17;
	[sflag:s11] =	ssyncset.done $0x0  }
0x34: {  	p0 =	sne.s32 s17, s9;
	[sflag:s11] =	ssyncadd.s32 $0xFFFFF600  }
.Ltmp1:
0x35: {  	[bflag:$0x0] =	sbarrier.arrive $0xFFFF;
	(pc) =	sbr.rel @p0 .LBB2_1-.Ltmp1, $4  }
0x36: {  	[hbm:s16], [sflag:s6] =	dma.local [spmem:s10], $0xA00  }
0x37: {  	_ =	swait.ge [sflag:s11], $0xA00  }
0x38: {  	[sflag:s11] =	ssyncset.done $0x0  }
0x39: {  	[sflag:s11] =	ssyncadd.s32 $0xFFFFF600  }
0x3a: {  	_ =	sfence.sel $0x180000  }
0x3b: {  	[bflag:$0x0] =	sbarrier.arrive $0xFFFF  }
0x3c: {  	p0 =	sne.s32 s0, $0x0;
	_ =	strace $0x9000004D  }
0x3d: {  	s0 =	sadd.s32 @!p0 $0x100000, s1;
	[bflag:$0x2] =	sbarrier.arrive $0xFFFF  }
0x3e: {  	[sflag:s0] =	ssyncadd.tile.s32 @!p0 $0x1;
	_ =	shalt  }
.Lfunc_end2:
_tile_overlayer_lowered:
.L_overlay_start_2:
0x3f: {  	(tag) =	ssettag $0x2  }
0x40: {  	s0 =	rddreg [dreg:$0x0];
	s2 =	stileid.u32  }
0x41: {  	s1 =	rddreg [dreg:$0x1];
	p0 =	sne.s32 s2, $0x0  }
0x42: {  	s3 =	rddreg [dreg:$0x2];
	[bflag:$0x3] =	sbarrier.arrive $0xFFFF;
	s2 =	simm.s32 @!p0 $0x1C02  }
0x43: {  	[timem:s3], [sflag:s2] =	dma.local @!p0 [hbm:s0], s1  }
0x44: {  	s0 =	simm.s32 @!p0 $0x2  }
0x45: {  	_ =	swait.ge @!p0 [sflag:s0], s1  }
0x46: {  	s1 =	ssub.s32 @!p0 $0x0, s1;
	[sflag:s0] =	ssyncset.done @!p0 $0x0  }
0x47: {  	[sflag:s0] =	ssyncadd.s32 @!p0 s1  }
0x48: {  	[bflag:$0x3] =	sbarrier.arrive $0xFFFF  }
0x49: {  	_ =	shalt  }

// kernel: kernel.8.cloned.1.call-start
scs
__scs_entry_jumppad:
0x0: {  	(pc) =	sbr.rel $0x88, $3  }
0x1: {  	(tag) =	ssettag $0x0;
	lr =	simm.s32 $0x1  }
0x2: {  	[smem:$0x3F97] =	sst lr;
	_ =	strace $0xD0000000  }
0x3: {  	_ = 	snop  }
0x4: {  	_ = 	snop  }
0x5: {  	_ = 	snop  }
0x6: {  	_ = 	snop  }
0x7: {  	_ = 	snop  }
__scs_overlays_trampoline_lowered:
0x8: {  	[smem:$0x3FA6] =	sst s0  }
0x9: {  	[smem:$0x3FA7] =	sst s1  }
0xa: {  	[smem:$0x3FA8] =	sst s2  }
0xb: {  	[smem:$0x3FA9] =	sst s3  }
0xc: {  	[smem:$0x3FAA] =	sst s4  }
0xd: {  	[smem:$0x3FAB] =	sst s5  }
0xe: {  	[smem:$0x3FAC] =	sst s6  }
0xf: {  	[smem:$0x3FAD] =	sst s7  }
0x10: {  	[smem:$0x3FAE] =	sst s8  }
0x11: {  	[smem:$0x3FAF] =	sst s9;
	s0 =	simm.s32 @!p0 $0x0  }
0x12: {  	s1 =	sld [smem:$0x3F95];
	s0 =	simm.s32 @p0 $0x1  }
0x13: {  	[smem:$0x3FB0] =	sst s0;
	s0 =	simm.s32 @!p1 $0x0  }
0x14: {  	s2 =	sld [smem:$0x3F94];
	s0 =	simm.s32 @p1 $0x1  }
0x15: {  	[smem:$0x3FB1] =	sst s0;
	s0 =	simm.s32 @!p2 $0x0  }
0x16: {  	s3 =	sld [smem:$0x3FDB];
	s0 =	simm.s32 @p2 $0x1  }
0x17: {  	s4 =	simm.s32 $0x1BF5;
	[smem:$0x3FB3] =	sst s0  }
0x18: {  	s0 =	sld [smem:$0x3F96];
	_ =	swait.ge [sflag:s4], $0x0  }
0x19: {  	s7 =	sld [smem:$0x3F97]  }
0x1a: {  	s8 =	sadd.s32 $0xFFFFE003, lr  }
0x1b: {  	s9 =	sadd.s32 $0xFFFFFEF7, lr;
	s5 =	simm.s32 $0xFFFFFFFF;
	p2 =	slt.u32 s8, $0xFFFFF086  }
0x1c: {  	p1 =	slt.u32 s9, $0xF7A;
	s5 =	simm.s32 @!p2 $0x0  }
0x1d: {  	s5 =	simm.s32 @p1 $0x1;
	p0 =	seq.s32 s7, s2  }
0x1e: {  	s7 =	smul.u32 @!p0 $0xF7A, s2;
	p2 =	seq.s32 @!p0 s5, $0x0  }
0x1f: {  	s9 =	smul.u32 $0xF7A, s1;
	s8 =	simm.s32 @!p0 $0x1BF5;
	p2 =	por !p2, p0  }
0x20: {  	[sflag:s8] =	ssyncset.s32 @!p0 $0xFFFFF086;
	s6 =	sadd.s32 @!p0 s3, s7;
	s7 =	simm.s32 @!p0 $0x108  }
0x21: {  	s3 =	sadd.s32 s3, s9;
	s6 =	sadd.s32 @!p0 $0x88, s6;
	s7 =	simm.s32 @p2 $0x1082  }
0x22: {  	[simem:s7], [sflag:s8] =	dma.local @!p0 [hbm:s6], $0xF7A  }
0x23: {  	s9 =	sor.u32 $0xD0000000, s2;
	s6 =	simm.s32 $0x108;
	_ =	swait.ge @!p0 [sflag:s8], $0x0  }
0x24: {  	s3 =	sadd.s32 $0x88, s3;
	s6 =	simm.s32 @!p1 $0x1082;
	[sflag:s4] =	ssyncset.s32 $0xFFFFF086  }
0x25: {  	[simem:s6], [sflag:s4] =	dma.local [hbm:s3], $0xF7A  }
0x26: {  	[smem:$0x3F97] =	sst s1;
	(tag) =	ssettag s2;
	_ =	strace s9  }
0x27: {  	s1 =	sld [smem:$0x3FA7]  }
0x28: {  	s2 =	sld [smem:$0x3FA8]  }
0x29: {  	s4 =	sld [smem:$0x3FAA]  }
0x2a: {  	p0 =	seq.s32 s5, $0x0;
	s5 =	sld [smem:$0x3FAB]  }
0x2b: {  	s6 =	sld [smem:$0x3FAC]  }
0x2c: {  	s7 =	sld [smem:$0x3FAD]  }
0x2d: {  	s3 =	simm.s32 $0x108;
	s8 =	sld [smem:$0x3FAE]  }
0x2e: {  	s3 =	simm.s32 @!p0 $0x1082;
	s9 =	sld [smem:$0x3FAF]  }
0x2f: {  	lr =	sadd.s32 s0, s3;
	s0 =	sld [smem:$0x3FA6]  }
0x30: {  	s3 =	sld [smem:$0x3FA9]  }
0x31: {  	[smem:$0x3FB2] =	sst s10  }
0x32: {  	s10 =	sld [smem:$0x3FB0];
	_ =	sdelay $0x3  }
0x33: {  	p0 =	seq.s32 s10, $0x1;
	s10 =	sld [smem:$0x3FB2];
	_ =	sdelay $0x3  }
0x34: {  	[smem:$0x3FB2] =	sst s10  }
0x35: {  	s10 =	sld [smem:$0x3FB1];
	_ =	sdelay $0x3  }
0x36: {  	p1 =	seq.s32 s10, $0x1;
	s10 =	sld [smem:$0x3FB2];
	_ =	sdelay $0x3  }
0x37: {  	[smem:$0x3FB2] =	sst s10  }
0x38: {  	s10 =	sld [smem:$0x3FB3]  }
0x39: {  	_ = 	snop;
	(pc) =	sbr.ind lr, $3  }
0x3a: {  	_ = 	snop  }
0x3b: {  	_ = 	snop  }
0x3c: {  	p2 =	seq.s32 s10, $0x1;
	s10 =	sld [smem:$0x3FB2]  }
0x3d: {  	_ =	shalt  }
0x3e: {  	_ =	shalt  }
0x3f: {  	_ =	shalt  }
0x40: {  	_ =	shalt  }
0x41: {  	_ =	shalt  }
0x42: {  	_ =	shalt  }
0x43: {  	_ =	shalt  }
0x44: {  	_ =	shalt  }
0x45: {  	_ =	shalt  }
0x46: {  	_ =	shalt  }
0x47: {  	_ =	shalt  }
0x48: {  	_ =	shalt  }
0x49: {  	_ =	shalt  }
0x4a: {  	_ =	shalt  }
0x4b: {  	_ =	shalt  }
0x4c: {  	_ =	shalt  }
0x4d: {  	_ =	shalt  }
0x4e: {  	_ =	shalt  }
0x4f: {  	_ =	shalt  }
0x50: {  	_ =	shalt  }
0x51: {  	_ =	shalt  }
0x52: {  	_ =	shalt  }
0x53: {  	_ =	shalt  }
0x54: {  	_ =	shalt  }
0x55: {  	_ =	shalt  }
0x56: {  	_ =	shalt  }
0x57: {  	_ =	shalt  }
0x58: {  	_ =	shalt  }
0x59: {  	_ =	shalt  }
0x5a: {  	_ =	shalt  }
0x5b: {  	_ =	shalt  }
0x5c: {  	_ =	shalt  }
0x5d: {  	_ =	shalt  }
0x5e: {  	_ =	shalt  }
0x5f: {  	_ =	shalt  }
0x60: {  	_ =	shalt  }
0x61: {  	_ =	shalt  }
0x62: {  	_ =	shalt  }
0x63: {  	_ =	shalt  }
0x64: {  	_ =	shalt  }
0x65: {  	_ =	shalt  }
0x66: {  	_ =	shalt  }
0x67: {  	_ =	shalt  }
0x68: {  	_ =	shalt  }
0x69: {  	_ =	shalt  }
0x6a: {  	_ =	shalt  }
0x6b: {  	_ =	shalt  }
0x6c: {  	_ =	shalt  }
0x6d: {  	_ =	shalt  }
0x6e: {  	_ =	shalt  }
0x6f: {  	_ =	shalt  }
0x70: {  	_ =	shalt  }
0x71: {  	_ =	shalt  }
0x72: {  	_ =	shalt  }
0x73: {  	_ =	shalt  }
0x74: {  	_ =	shalt  }
0x75: {  	_ =	shalt  }
0x76: {  	_ =	shalt  }
0x77: {  	_ =	shalt  }
0x78: {  	_ =	shalt  }
0x79: {  	_ =	shalt  }
0x7a: {  	_ =	shalt  }
0x7b: {  	_ =	shalt  }
0x7c: {  	_ =	shalt  }
0x7d: {  	_ =	shalt  }
0x7e: {  	_ =	shalt  }
0x7f: {  	_ =	shalt  }
0x80: {  	_ =	shalt  }
0x81: {  	_ =	shalt  }
0x82: {  	_ =	shalt  }
0x83: {  	_ =	shalt  }
0x84: {  	_ =	shalt  }
0x85: {  	_ =	shalt  }
0x86: {  	_ =	shalt  }
0x87: {  	_ =	shalt  }
.Lfunc_end0:
.L_simem_size_0:
called_computation_lowered:
.L_overlay_start_0:
0x88: {  	s2 =	sld [smem:$0x3FD9]  }
0x89: {  	s3 =	sld [smem:$0x3FFE];
	_ =	sdelay $0x1  }
0x8a: {  	s1 =	srdreg.scid  }
0x8b: {  	s0 =	sand.u32 $0x1, s1  }
0x8c: {  	s14 =	sshll.u32 s0, $0xA;
	s2 =	sadd.s32 s3, s2  }
0x8d: {  	s2 =	sadd.s32 s2, s14  }
0x8e: {  	[smem:$0x3FBE] =	sst s2  }
0x8f: {  	_ = 	snop  }
0x90: {  	s2 =	sld [smem:$0x3FD0];
	_ =	sdelay $0x2  }
0x91: {  	s15 =	simm.s32 $0xA;
	s4 =	simm.s32 $0x10  }
0x92: {  	[smem:s4], [sflag:s15] =	dma.local [hbm:s2], $0x1  }
0x93: {  	_ =	swait.eq [sflag:s15], $0x1  }
0x94: {  	[sflag:s15] =	ssyncset.done $0x0  }
0x95: {  	[sflag:s15] =	ssyncadd.s32 $0xFFFFFFFF  }
0x96: {  	s16 =	sld [smem:$0x10];
	(tm) =	ssettm $0x1  }
0x97: {  	s17 =	sld [smem:$0x3FFB];
	_ =	sdelay $0x3  }
0x98: {  	_ =	strace s17  }
0x99: {  	s3 =	sld [smem:$0x3FFC];
	_ =	sdelay $0x3  }
0x9a: {  	_ =	strace s3  }
0x9b: {  	s3 =	sld [smem:$0x3FFD];
	_ =	sdelay $0x3  }
0x9c: {  	_ =	strace s3  }
0x9d: {  	_ =	strace $0x8FFFFFFF  }
0x9e: {  	s18 =	sld [smem:$0x3FDB];
	_ =	sdelay $0x1  }
0x9f: {  	s19 =	simm.s32 $_scs_section_size  }
0xa0: {  	s5 =	simm.s32 $_size__tile_overlayer_lowered;
	s6 =	simm.s32 $_tile_overlayer_lowered  }
0xa1: {  	s22 =	simm.s32 $0x1BFF;
	s21 =	sshll.u32 s6, $0x1;
	s3 =	sadd.s32 s19, s18  }
0xa2: {  	s7 =	simm.s32 $0x0;
	s20 =	sshll.u32 s5, $0x1;
	s5 =	sadd.s32 s21, s3  }
0xa3: {  	[timem:s7], [sflag:s22] =	dma.local [hbm:s5], s20  }
0xa4: {  	_ =	swait.ge [sflag:s22], s20  }
0xa5: {  	s4 =	ssub.s32 $0x0, s20;
	[sflag:s22] =	ssyncset.done $0x0  }
0xa6: {  	[sflag:s22] =	ssyncadd.s32 s4;
	_ =	sdelay $0x1  }
0xa7: {  	s23 =	simm.s32 $0x1B8B  }
0xa8: {  	_ =	swait.ge [sflag:s23], $0x1  }
0xa9: {  	[sflag:s23] =	ssyncset.done $0x0  }
0xaa: {  	s25 =	simm.s32 $0x1B8E;
	s24 =	sld [smem:$0x3FFE];
	[sflag:s23] =	ssyncadd.s32 $0xFFFFFFFF  }
0xab: {  	s26 =	simm.s32 $execute0_lowered;
	[smem:$0x3FD2] =	sst s25  }
0xac: {  	s5 =	sshll.u32 s26, $0x1;
	_ =	strace $0x80000046;
	[dreg:$0x1] =	wrdreg $0xFFFFFFFF  }
0xad: {  	s28 =	simm.s32 $_size_execute0_lowered;
	s3 =	sadd.s32 s3, s5;
	[dreg:$0x0] =	wrdreg $0x0  }
0xae: {  	s5 =	sshll.u32 s28, $0x1;
	[dreg:$0x2] =	wrdreg s3  }
0xaf: {  	[dreg:$0x3] =	wrdreg s5  }
0xb0: {  	[dreg:$0x4] =	wrdreg $0xC0  }
0xb1: {  	_ =	task [dreg:s7], $0x5FFFF  }
0xb2: {  	[dreg:$0x1] =	wrdreg $0xFFFFFFFF  }
0xb3: {  	[dreg:$0x0] =	wrdreg $0x60  }
0xb4: {  	[dreg:$0x2] =	wrdreg s24  }
0xb5: {  	[dreg:$0x3] =	wrdreg s16  }
0xb6: {  	[dreg:$0x4] =	wrdreg $0x53200  }
0xb7: {  	[dreg:$0x5] =	wrdreg $0x9  }
0xb8: {  	_ =	task.clear_ibuf [dreg:s7], $0x6FFFF;
	_ =	strace $0x90000046  }
0xb9: {  	s29 =	simm.s32 $0x9;
	_ =	strace $0x80000048  }
0xba: {  	_ =	swait.ge [sflag:s29], $0x1  }
0xbb: {  	[sflag:s29] =	ssyncadd.s32 $0xFFFFFFFF  }
0xbc: {  	_ =	strace $0x90000048  }
0xbd: {  	_ =	sfence  }
0xbe: {  	s30 =	sld [smem:$0x0];
	_ =	sdelay $0x2  }
0xbf: {  	s31 =	sshll.u32 s1, $0xD;
	s1 =	sshrl.u32 s1, $0x2  }
0xc0: {  	s3 =	sand.u32 $0x4000, s31;
	s1 =	sadd.s32 s1, s30  }
0xc1: {  	s0 =	sor.u32 s3, s0;
	s1 =	sshll.u32 s1, $0x11  }
0xc2: {  	s0 =	sor.u32 s1, s0  }
0xc3: {  	s0 =	sadd.s32 $0x8F2B, s0  }
0xc4: {  	[sflag:s0] =	ssyncadd.remote.s32 $0x1  }
0xc5: {  	_ =	sfence.sel $0xFFFF  }
0xc6: {  	[dreg:$0x0] =	wrdreg $0xFFFFFFFF;
	(pc) =	sbr.abs _section_cstart, $3  }
0xc7: {  	[dreg:$0x1] =	wrdreg $0xFFFFFFFF  }
0xc8: {  	_ =	task.clear_ibuf [dreg:s7], $0x2FFFF;
	_ =	strace $0x9FFFFFFF  }
0xc9: {  	(tm) =	ssettm $0x7FFFFFFF  }
tec
execute0_lowered:
.L_overlay_start_1:
0x0: {  	(tag) =	ssettag $0x1  }
0x1: {  	s5 =	rddreg [dreg:$0x0]  }
0x2: {  	s8 =	rddreg [dreg:$0x1];
	s1 =	srdreg.scid  }
0x3: {  	s0 =	stileid.u32;
	s2 =	rddreg [dreg:$0x2]  }
0x4: {  	s3 =	simm.s32 $0x0;
	s14 =	simm.s32 $0x4E20;
	s15 =	simm.s32 $0x1  }
0x5: {  	s6 =	sand.u32 $0x1, s1;
	s4 =	sshll.u32 s0, $0x1;
	s1 =	rddreg [dreg:$0x3]  }
0x6: {  	[smem:$0x7FF] =	sst s3;
	s10 =	smul.u32 $0x2800, s0;
	s31 =	sshll.u32 s0, $0x6  }
0x7: {  	s4 =	sor.u32 s6, s4;
	_ =	strace $0x80000047;
	s7 =	smul.u32 $0x5000, s6  }
0x8: {  	s6 =	ssub.s32 $0x2, s6;
	s9 =	smul.u32 $0x4E2, s4;
	s4 =	sadd.s32 $0xC000, s5  }
0x9: {  	s30 =	sshrl.u32 s6, $0x1;
	s16 =	sshrl.u32 s10, $0x3;
	s10 =	sadd.s32 s10, s2  }
0xa: {  	s12 =	sadd.s32 s7, s5;
	s13 =	ssub.s32 s6, s30;
	s6 =	sor.u32 $0x1C02, s31  }
0xb: {  	s10 =	sshrl.u32 s10, $0x3;
	s11 =	sadd.s32 s9, s5;
	s5 =	sadd.s32 s4, s16  }
0xc: {  	s8 =	sadd.s32 s8, s9;
	s17 =	sadd.s32 $0x11000, s12;
	s9 =	smax.u32 s13, $0x1  }
0xd: {  	s12 =	simm.s32 $0x2710;
	s13 =	simm.s32 $0x50;
	s7 =	sadd.s32 $0x2200, s11  }
0xe: {  	s11 =	simm.s32 $0x2;
	s16 =	sadd.s32 s16, s17;
	s17 =	simm.s32 $0x0  }
.LBB2_1:
0xf: {  	[spmem:s10], [sflag:s6] =	dma.local [hbm:s5], $0x500  }
0x10: {  	_ =	swait.ge [sflag:s11], $0x500  }
0x11: {  	[sflag:s11] =	ssyncset.done $0x0  }
0x12: {  	[sflag:s11] =	ssyncadd.s32 $0xFFFFFB00  }
0x13: {  	[tilespmem:s3], [sflag:$0x2] =	stream.linear.gather [hbm4b:s7+s3], $0x2710, $0x38;
	[tilespmem:$0x7B20] =	vst v63  }
0x14: {  	_ =	swait.ge [sflag:s11], $0x2710  }
0x15: {  	[sflag:s11] =	ssyncset.done $0x0  }
0x16: {  	[sflag:s11] =	ssyncadd.s32 $0xFFFFD8F0  }
0x17: {  	[tilespmem:s12], [sflag:$0x2] =	stream.linear.gather [hbm4b:s8+s3], $0x2710, $0x38;
	[tilespmem:$0x7B20] =	vst v63  }
0x18: {  	_ =	swait.ge [sflag:s11], $0x2710  }
0x19: {  	[sflag:s11] =	ssyncset.done $0x0  }
0x1a: {  	[sflag:s11] =	ssyncadd.s32 $0xFFFFD8F0  }
0x1b: {  	s18 =	simm.s32 $0x0;
	[bflag:$0x0] =	sbarrier.arrive $0xFFFF  }
0x1c: {  	[tilespmem:s14], [sflag:$0x1] =	stream.indirect.gather [hbm4b:s4+s13], $0x10, s18, s13, $0xb8;
	[tilespmem:$0x7B20] =	vst v63  }
0x1d: {  	_ =	swait.ge [sflag:s15], $0x500  }
0x1e: {  	[sflag:s15] =	ssyncset.done $0x0  }
0x1f: {  	s31 =	simm.s32 $0x2710;
	[sflag:s15] =	ssyncadd.s32 $0xFFFFFB00  }
0x20: {  	[spmem:s2] =	stream.indirect.scatter.add.f32 [tilespmem:s14], [sflag:$0x2], $0x10, s31, s13, $0xb8;
	[tilespmem:$0x7B20] =	vst v63  }
0x21: {  	_ =	swait.ge [sflag:s11], $0x500  }
0x22: {  	s19 =	simm.s32 $0x280;
	s18 =	simm.s32 $0x140;
	[sflag:s11] =	ssyncset.done $0x0  }
.LBB2_2:
0x23: {  	s20 =	sshra.s32 s18, $0x2  }
0x24: {  	[sflag:s11] =	ssyncadd.s32 $0xFFFFFB00;
	s18 =	smov.u32 s19;
	s21 =	sadd.s32 $0x140, s19  }
0x25: {  	[tilespmem:s14], [sflag:$0x1] =	stream.indirect.gather [hbm4b:s4+s13], $0x10, s20, s13, $0xb8;
	[tilespmem:$0x7B20] =	vst v63  }
0x26: {  	p0 =	sne.s32 s19, $0x9B00;
	_ =	swait.ge [sflag:s15], $0x500  }
.Ltmp0:
0x27: {  	[sflag:s15] =	ssyncset.done $0x0;
	(pc) =	sbr.rel @p0 .LBB2_2-.Ltmp0, $4  }
0x28: {  	s19 =	sadd.s32 $0x2710, s20;
	[sflag:s15] =	ssyncadd.s32 $0xFFFFFB00  }
0x29: {  	[spmem:s2] =	stream.indirect.scatter.add.f32 [tilespmem:s14], [sflag:$0x2], $0x10, s19, s13, $0xb8;
	[tilespmem:$0x7B20] =	vst v63  }
0x2a: {  	_ =	swait.ge [sflag:s11], $0x500  }
0x2b: {  	s19 =	smov.u32 s21;
	[sflag:s11] =	ssyncset.done $0x0  }
0x2c: {  	s18 =	sshra.s32 s18, $0x2;
	[sflag:s11] =	ssyncadd.s32 $0xFFFFFB00  }
0x2d: {  	[tilespmem:s14], [sflag:$0x1] =	stream.indirect.gather [hbm4b:s4+s13], $0x10, s18, s13, $0xb8;
	[tilespmem:$0x7B20] =	vst v63  }
0x2e: {  	_ =	swait.ge [sflag:s15], $0x500  }
0x2f: {  	[sflag:s15] =	ssyncset.done $0x0  }
0x30: {  	s18 =	sadd.s32 $0x2710, s18;
	[sflag:s15] =	ssyncadd.s32 $0xFFFFFB00  }
0x31: {  	[spmem:s2] =	stream.indirect.scatter.add.f32 [tilespmem:s14], [sflag:$0x2], $0x10, s18, s13, $0xb8;
	[tilespmem:$0x7B20] =	vst v63  }
0x32: {  	_ =	swait.ge [sflag:s11], $0x500  }
0x33: {  	s17 =	sadd.s32 $0x1, s17;
	[sflag:s11] =	ssyncset.done $0x0  }
0x34: {  	p0 =	sne.s32 s17, s9;
	[sflag:s11] =	ssyncadd.s32 $0xFFFFFB00  }
.Ltmp1:
0x35: {  	[bflag:$0x0] =	sbarrier.arrive $0xFFFF;
	(pc) =	sbr.rel @p0 .LBB2_1-.Ltmp1, $4  }
0x36: {  	[hbm:s16], [sflag:s6] =	dma.local [spmem:s10], $0x500  }
0x37: {  	_ =	swait.ge [sflag:s11], $0x500  }
0x38: {  	[sflag:s11] =	ssyncset.done $0x0  }
0x39: {  	[sflag:s11] =	ssyncadd.s32 $0xFFFFFB00  }
0x3a: {  	_ =	sfence.sel $0x180000  }
0x3b: {  	[bflag:$0x0] =	sbarrier.arrive $0xFFFF  }
0x3c: {  	p0 =	sne.s32 s0, $0x0;
	_ =	strace $0x90000047  }
0x3d: {  	s0 =	sadd.s32 @!p0 $0x100000, s1;
	[bflag:$0x2] =	sbarrier.arrive $0xFFFF  }
0x3e: {  	[sflag:s0] =	ssyncadd.tile.s32 @!p0 $0x1;
	_ =	shalt  }
.Lfunc_end2:
_tile_overlayer_lowered:
.L_overlay_start_2:
0x3f: {  	(tag) =	ssettag $0x2  }
0x40: {  	s0 =	rddreg [dreg:$0x0];
	s2 =	stileid.u32  }
0x41: {  	s1 =	rddreg [dreg:$0x1];
	p0 =	sne.s32 s2, $0x0  }
0x42: {  	s3 =	rddreg [dreg:$0x2];
	[bflag:$0x3] =	sbarrier.arrive $0xFFFF;
	s2 =	simm.s32 @!p0 $0x1C02  }
0x43: {  	[timem:s3], [sflag:s2] =	dma.local @!p0 [hbm:s0], s1  }
0x44: {  	s0 =	simm.s32 @!p0 $0x2  }
0x45: {  	_ =	swait.ge @!p0 [sflag:s0], s1  }
0x46: {  	s1 =	ssub.s32 @!p0 $0x0, s1;
	[sflag:s0] =	ssyncset.done @!p0 $0x0  }
0x47: {  	[sflag:s0] =	ssyncadd.s32 @!p0 s1  }
0x48: {  	[bflag:$0x3] =	sbarrier.arrive $0xFFFF  }
0x49: {  	_ =	shalt  }

</sc_bundles>
